<compile_context>
chip_gen: v7x
topology: tpu7x:2x2x1
jax: 0.10.2.dev20260603
libtpu: 0.0.44.dev20260713+nightly
codegen_flags: <defaults>
</compile_context>

<pallas_src>
import functools

import jax
import jax.numpy as jnp
from jax import lax
from jax.experimental import pallas as pl
from jax.experimental.pallas import tpu as pltpu
from jax.experimental.pallas import tpu_sc as plsc

_N = 10000
_E = 160000
_D_IN = 256
_D_HID = 128
_MLP_HID = 200
_N_CLS = 2

_NC = 2
_NS = 16
_NW = _NC * _NS
_CH = 128
_EW = _E // _NW
_DCH = 40
_NA = 10240
_ZC = 5
_WR_T = 10
_WR_R = _N // _WR_T
_NBUF = 4

_sc_mesh = plsc.VectorSubcoreMesh(core_axis_name="c", subcore_axis_name="s")



@functools.partial(
    pl.kernel,
    out_type=jax.ShapeDtypeStruct((_NC, _N, 16), jnp.float32),
    mesh=_sc_mesh,
    scratch_types=[
        pltpu.VMEM((_DCH, _CH), jnp.int32),
        pltpu.VMEM((_CH, 16), jnp.float32),
        pltpu.VMEM((_CH, 16), jnp.float32),
        pltpu.VMEM_SHARED((_NA, 16), jnp.float32),
    ],
)
def _deg_kernel(dst_hbm, out_hbm, didx_v, ones_v, zero_v, acc_sh):
    c = lax.axis_index("c")
    s = lax.axis_index("s")
    w = c * _NS + s

    def fill(i, _):
        ones_v[i, :] = jnp.full((16,), 1.0, jnp.float32)
        zero_v[i, :] = jnp.zeros((16,), jnp.float32)
        return _
    lax.fori_loop(0, _CH, fill, None)

    pltpu.sync_copy(dst_hbm.at[pl.ds(w * _DCH, _DCH)], didx_v)
    for r in range(_ZC):
        pltpu.sync_copy(zero_v, acc_sh.at[pl.ds((s * _ZC + r) * _CH, _CH)])
    plsc.subcore_barrier()

    def chunk(j, _):
        pltpu.sync_copy(ones_v, acc_sh.at[didx_v.at[j]], add=True)
        return _
    lax.fori_loop(0, _DCH, chunk, None)
    plsc.subcore_barrier()

    @pl.when(s < _WR_T)
    def _():
        pltpu.sync_copy(acc_sh.at[pl.ds(s * _WR_R, _WR_R)],
                        out_hbm.at[c, pl.ds(s * _WR_R, _WR_R)])


@functools.partial(
    pl.kernel,
    out_type=jax.ShapeDtypeStruct((_NC, _N, _D_HID), jnp.float32),
    mesh=_sc_mesh,
    scratch_types=[
        pltpu.VMEM((_DCH, _CH), jnp.int32),
        pltpu.VMEM((_DCH, _CH), jnp.int32),
        pltpu.VMEM((_CH, _D_HID), jnp.float32),
        pltpu.VMEM((_CH, _D_HID), jnp.float32),
        pltpu.VMEM_SHARED((_NA, _D_HID), jnp.float32),
        pltpu.SemaphoreType.DMA,
    ],
)
def _edge_agg_kernel(hn_hbm, src_hbm, dst_hbm, out_hbm,
                     sidx_v, didx_v, rows_v, zero_v, acc_sh, sem):
    c = lax.axis_index("c")
    s = lax.axis_index("s")
    w = c * _NS + s

    def zfill(i, _):
        for k in range(_D_HID // 16):
            zero_v[i, pl.ds(k * 16, 16)] = jnp.zeros((16,), jnp.float32)
        return _
    lax.fori_loop(0, _CH, zfill, None)

    pltpu.sync_copy(src_hbm.at[pl.ds(w * _DCH, _DCH)], sidx_v)
    pltpu.sync_copy(dst_hbm.at[pl.ds(w * _DCH, _DCH)], didx_v)
    for r in range(_ZC):
        pltpu.sync_copy(zero_v, acc_sh.at[pl.ds((s * _ZC + r) * _CH, _CH)])
    plsc.subcore_barrier()

    def chunk(j, _):
        pltpu.async_copy(hn_hbm.at[sidx_v.at[j]], rows_v, sem).wait()
        pltpu.sync_copy(rows_v, acc_sh.at[didx_v.at[j]], add=True)
        return _
    lax.fori_loop(0, _DCH, chunk, None)
    plsc.subcore_barrier()

    @pl.when(s < _WR_T)
    def _():
        pltpu.sync_copy(acc_sh.at[pl.ds(s * _WR_R, _WR_R)],
                        out_hbm.at[c, pl.ds(s * _WR_R, _WR_R)])



_BLK = 2000
_NBLK = _N // _BLK


def _tc_m_body(x_ref, w1_ref, h_ref):
    h_ref[...] = jnp.dot(x_ref[...], w1_ref[...],
                         preferred_element_type=jnp.float32)


def _tc_a_body(d0_ref, d1_ref, h_ref, norm_ref, hn1_ref):
    d = d0_ref[:, 0:1] + d1_ref[:, 0:1] + 1.0
    nm = lax.rsqrt(d)
    norm_ref[...] = nm
    hn1_ref[...] = h_ref[...] * nm


def _tc_b_body(s0_ref, s1_ref, hn1_ref, norm_ref, b1_ref, w2_ref, hn2_ref):
    nm = norm_ref[...]
    agg = (s0_ref[...] + s1_ref[...] + hn1_ref[...]) * nm + b1_ref[...]
    o = jnp.maximum(agg, 0.0)
    h2 = jnp.dot(o, w2_ref[...], preferred_element_type=jnp.float32)
    hn2_ref[...] = h2 * nm


def _tc_c1_body(s0_ref, s1_ref, hn2_ref, norm_ref, b2_ref, wm1_ref, bm1_ref,
                z_ref, sum_ref, sq_ref):
    agg = (s0_ref[...] + s1_ref[...] + hn2_ref[...]) * norm_ref[...] + b2_ref[...]
    h = jnp.maximum(agg, 0.0)
    z = jnp.dot(h, wm1_ref[...], preferred_element_type=jnp.float32) + bm1_ref[...]
    z = jnp.maximum(z, 0.0)
    z_ref[...] = z
    sum_ref[0, :, :] = jnp.sum(z, axis=0, keepdims=True)
    sq_ref[0, :, :] = jnp.sum(z * z, axis=0, keepdims=True)


def _tc_c2_body(z_ref, sum_ref, sq_ref, g_ref, bt_ref, wm2_ref, bm2_ref, out_ref):
    mean = jnp.sum(sum_ref[:, 0, :], axis=0, keepdims=True) * (1.0 / _N)
    var = jnp.sum(sq_ref[:, 0, :], axis=0, keepdims=True) * (1.0 / _N) - mean * mean
    zn = (z_ref[...] - mean) * lax.rsqrt(var + 1e-5) * g_ref[...] + bt_ref[...]
    out_ref[...] = (
        jnp.dot(zn, wm2_ref[...], preferred_element_type=jnp.float32)
        + bm2_ref[...]
    )


def _row_spec(width):
    return pl.BlockSpec((_BLK, width), lambda i: (i, 0))


def _full_spec(shape):
    return pl.BlockSpec(shape, lambda i: tuple(0 for _ in shape))


def _tc_m(x, w1):
    return pl.pallas_call(
        _tc_m_body,
        grid=(_NBLK,),
        in_specs=[_row_spec(_D_IN), _full_spec((_D_IN, _D_HID))],
        out_specs=_row_spec(_D_HID),
        out_shape=jax.ShapeDtypeStruct((_N, _D_HID), jnp.float32),
    )(x, w1)


def _tc_a(d0, d1, h):
    return pl.pallas_call(
        _tc_a_body,
        grid=(_NBLK,),
        in_specs=[_row_spec(16), _row_spec(16), _row_spec(_D_HID)],
        out_specs=[_row_spec(1), _row_spec(_D_HID)],
        out_shape=[jax.ShapeDtypeStruct((_N, 1), jnp.float32),
                   jax.ShapeDtypeStruct((_NA, _D_HID), jnp.float32)],
    )(d0, d1, h)


def _tc_b(s0, s1, hn1, norm, b1, w2):
    return pl.pallas_call(
        _tc_b_body,
        grid=(_NBLK,),
        in_specs=[_row_spec(_D_HID), _row_spec(_D_HID), _row_spec(_D_HID),
                  _row_spec(1), _full_spec((1, _D_HID)),
                  _full_spec((_D_HID, _D_HID))],
        out_specs=_row_spec(_D_HID),
        out_shape=jax.ShapeDtypeStruct((_NA, _D_HID), jnp.float32),
    )(s0, s1, hn1, norm, b1, w2)


def _tc_c1(s0, s1, hn2, norm, b2, wm1, bm1):
    return pl.pallas_call(
        _tc_c1_body,
        grid=(_NBLK,),
        in_specs=[_row_spec(_D_HID), _row_spec(_D_HID), _row_spec(_D_HID),
                  _row_spec(1), _full_spec((1, _D_HID)),
                  _full_spec((_D_HID, _MLP_HID)), _full_spec((1, _MLP_HID))],
        out_specs=[_row_spec(_MLP_HID),
                   pl.BlockSpec((1, 1, _MLP_HID), lambda i: (i, 0, 0)),
                   pl.BlockSpec((1, 1, _MLP_HID), lambda i: (i, 0, 0))],
        out_shape=[jax.ShapeDtypeStruct((_N, _MLP_HID), jnp.float32),
                   jax.ShapeDtypeStruct((_NBLK, 1, _MLP_HID), jnp.float32),
                   jax.ShapeDtypeStruct((_NBLK, 1, _MLP_HID), jnp.float32)],
    )(s0, s1, hn2, norm, b2, wm1, bm1)


def _tc_c2(z, sm, sq, gamma, beta, wm2, bm2):
    return pl.pallas_call(
        _tc_c2_body,
        grid=(_NBLK,),
        in_specs=[_row_spec(_MLP_HID), _full_spec((_NBLK, 1, _MLP_HID)),
                  _full_spec((_NBLK, 1, _MLP_HID)), _full_spec((1, _MLP_HID)),
                  _full_spec((1, _MLP_HID)), _full_spec((_MLP_HID, _N_CLS)),
                  _full_spec((1, _N_CLS))],
        out_specs=_row_spec(_N_CLS),
        out_shape=jax.ShapeDtypeStruct((_N, _N_CLS), jnp.float32),
    )(z, sm, sq, gamma, beta, wm2, bm2)



def _pad_edges(idx):
    w = idx.reshape(_NW, _EW)
    pad = jnp.full((_NW, _DCH * _CH - _EW), _N, jnp.int32)
    return jnp.concatenate([w, pad], axis=1).reshape(_NW * _DCH, _CH)


def kernel(features, edge_index, W1, b1, W2, b2, Wm1, bm1, gamma, beta, Wm2, bm2):
    src = _pad_edges(edge_index[0])
    dst = _pad_edges(edge_index[1])

    deg = _deg_kernel(dst)
    h1 = _tc_m(features, W1)
    norm, hn1 = _tc_a(deg[0], deg[1], h1)

    s1 = _edge_agg_kernel(hn1, src, dst)
    hn2 = _tc_b(s1[0], s1[1], hn1, norm, b1.reshape(1, -1), W2)

    s2 = _edge_agg_kernel(hn2, src, dst)
    z, sm, sq = _tc_c1(s2[0], s2[1], hn2, norm, b2.reshape(1, -1), Wm1,
                       bm1.reshape(1, -1))
    return _tc_c2(z, sm, sq, gamma.reshape(1, -1), beta.reshape(1, -1), Wm2,
                  bm2.reshape(1, -1))

# --- scband reference (transcript-rebuilt; emitter-appended) ---
"""Pipeline reference for scband-gcn-58497454572255 (READ-ONLY COPY).

The authoritative reference and input builder live on the scoring server;
editing this copy changes nothing except your own understanding.
"""

import jax, jax.numpy as jnp
import numpy as np

N = 10000
E = 160000
D_IN = 256
D_HID = 128
D_OUT = 128
MLP_HID = 200
N_CLS = 2


def setup_inputs(seed: int = 0) -> dict:
    key = jax.random.key(seed)
    ks = jax.random.split(key, 12)
    x = jax.random.normal(ks[0], (N, D_IN), dtype=jnp.float32)
    edge_index = jax.random.randint(ks[1], (2, E), 0, N, dtype=jnp.int32)
    W1 = jax.random.normal(ks[2], (D_IN, D_HID), dtype=jnp.float32) * (1.0 / np.sqrt(D_IN))
    b1 = jnp.zeros((D_HID,), dtype=jnp.float32)
    W2 = jax.random.normal(ks[3], (D_HID, D_OUT), dtype=jnp.float32) * (1.0 / np.sqrt(D_HID))
    b2 = jnp.zeros((D_OUT,), dtype=jnp.float32)
    Wm1 = jax.random.normal(ks[4], (D_OUT, MLP_HID), dtype=jnp.float32) * (1.0 / np.sqrt(D_OUT))
    bm1 = jnp.zeros((MLP_HID,), dtype=jnp.float32)
    gamma = jnp.ones((MLP_HID,), dtype=jnp.float32)
    beta = jnp.zeros((MLP_HID,), dtype=jnp.float32)
    Wm2 = jax.random.normal(ks[5], (MLP_HID, N_CLS), dtype=jnp.float32) * (1.0 / np.sqrt(MLP_HID))
    bm2 = jnp.zeros((N_CLS,), dtype=jnp.float32)
    return {"features": x, "edge_index": edge_index, "W1": W1, "b1": b1, "W2": W2, "b2": b2,
            "Wm1": Wm1, "bm1": bm1, "gamma": gamma, "beta": beta, "Wm2": Wm2, "bm2": bm2}


def reference(features, edge_index, W1, b1, W2, b2, Wm1, bm1, gamma, beta, Wm2, bm2):
    # DGL add_self_loop + GraphConv(norm='both'):
    # out_v = norm_v * sum_{u -> v (incl. self loop)} (norm_u * (x_u W)) + b
    src = edge_index[0]
    dst = edge_index[1]
    deg = jnp.zeros((N,), dtype=jnp.float32).at[dst].add(1.0) + 1.0  # +1 for self loop
    norm = deg ** -0.5

    def graph_conv(h_in, W, b):
        h = h_in @ W
        msg = h[src] * norm[src][:, None]
        agg = jnp.zeros((N, h.shape[1]), dtype=h.dtype).at[dst].add(msg)
        agg = agg + h * norm[:, None]  # self-loop message
        out = agg * norm[:, None] + b
        return jax.nn.relu(out)

    h = graph_conv(features, W1, b1)
    # dropout is identity in eval/deterministic reference
    h = graph_conv(h, W2, b2)

    # MLPPredictor: Dropout -> Linear -> ReLU -> BatchNorm1d -> Linear
    z = h @ Wm1 + bm1
    z = jax.nn.relu(z)
    mean = jnp.mean(z, axis=0)
    var = jnp.var(z, axis=0)
    z = (z - mean) / jnp.sqrt(var + 1e-5) * gamma + beta
    pred = z @ Wm2 + bm2
    return pred

if __name__ == "__main__":
    import jax
    _d = setup_inputs()
    print(jax.jit(kernel)(*tuple(_d.values())))

</pallas_src>

<mosaic_0001>
#map = affine_map<(d0, d1) -> (0, 0)>
#map1 = affine_map<(d0, d1) -> (0, 0, 0)>
module attributes {stable_mosaic.version = 14 : i64} {
  func.func @_deg_kernel(%arg0: i32, %arg1: i32, %arg2: memref<1280x128xi32, #tpu.memory_space<hbm>>, %arg3: memref<2x10000x16xf32, #tpu.memory_space<hbm>>, %arg4: memref<40x128xi32, #tpu.memory_space<vmem>>, %arg5: memref<128x16xf32, #tpu.memory_space<vmem>>, %arg6: memref<128x16xf32, #tpu.memory_space<vmem>>, %arg7: memref<10240x16xf32, #tpu.memory_space<vmem_shared>>) attributes {dimension_semantics = [#tpu.dimension_semantics<core_parallel>, #tpu.dimension_semantics<subcore_parallel>], iteration_bounds = array<i64: 2, 16>, scalar_prefetch = 0 : i64, scratch_operands = 4 : i64, tpu.core_type = #tpu.core_type<sc_vector_subcore>, window_params = [{transform_indices = #map}, {transform_indices = #map1}]} {
    %mul3A = arith.constant 16 : i32
    %mul3A_0 = arith.muli %arg0, %mul3A : i32
    %add3A = arith.addi %mul3A_0, %arg1 : i32
    %scan3A = arith.constant 0 : i32
    %scan3A_1 = arith.constant 128 : i32
    %scan3A_2 = arith.addi %scan3A, %scan3A_1 : i32
    %scan3A_3 = arith.constant 1 : i32
    scf.for %scan3A_45 = %scan3A to %scan3A_2 step %scan3A_3  : i32 {
      %broadcast_in_dim3A = arith.constant 1.000000e+00 : f32
      %broadcast_in_dim3A_46 = vector.broadcast %broadcast_in_dim3A : f32 to vector<16xf32>
      %swap3A = arith.index_cast %scan3A_45 : i32 to index
      %swap3A_47 = arith.constant 0 : index
      %swap3A_48 = tpu.vector_load %arg5[%swap3A, %swap3A_47] {strides = array<i32>} : memref<128x16xf32, #tpu.memory_space<vmem>>, vector<1x16xf32>,
      %swap3A_49 = vector.shape_cast %swap3A_48 : vector<1x16xf32> to vector<16xf32>
      %swap3A_50 = vector.shape_cast %broadcast_in_dim3A_46 : vector<16xf32> to vector<1x16xf32>
      tpu.vector_store %arg5[%swap3A, %swap3A_47], %swap3A_50 {strides = array<i32>} : memref<128x16xf32, #tpu.memory_space<vmem>>, vector<1x16xf32>,
      %broadcast_in_dim3A_51 = arith.constant 0.000000e+00 : f32
      %broadcast_in_dim3A_52 = vector.broadcast %broadcast_in_dim3A_51 : f32 to vector<16xf32>
      %swap3A_53 = arith.index_cast %scan3A_45 : i32 to index
      %swap3A_54 = arith.constant 0 : index
      %swap3A_55 = tpu.vector_load %arg6[%swap3A_53, %swap3A_54] {strides = array<i32>} : memref<128x16xf32, #tpu.memory_space<vmem>>, vector<1x16xf32>,
      %swap3A_56 = vector.shape_cast %swap3A_55 : vector<1x16xf32> to vector<16xf32>
      %swap3A_57 = vector.shape_cast %broadcast_in_dim3A_52 : vector<16xf32> to vector<1x16xf32>
      tpu.vector_store %arg6[%swap3A_53, %swap3A_54], %swap3A_57 {strides = array<i32>} : memref<128x16xf32, #tpu.memory_space<vmem>>, vector<1x16xf32>,
    }
    %scan3A_4 = arith.constant 128 : i32
    %mul3A_5 = arith.constant 40 : i32
    %mul3A_6 = arith.muli %add3A, %mul3A_5 : i32
    "tpu.region"() ({
      %run_scoped3A = tpu.sem_alloc : memref<!tpu.dma_semaphore, #tpu.memory_space<semaphore_mem>>
      %dma_start3A = arith.constant 0 : i32
      %dma_start3A_45 = tpu.memref_slice %arg2[%mul3A_6, %dma_start3A] : memref<1280x128xi32, #tpu.memory_space<hbm>> -> memref<40x128xi32, #tpu.memory_space<hbm>>
      %dma_start3A_46 = arith.constant 0 : i32
      %dma_start3A_47 = tpu.memref_slice %arg2[%mul3A_6, %dma_start3A_46] : memref<1280x128xi32, #tpu.memory_space<hbm>> -> memref<40x128xi32, #tpu.memory_space<hbm>>
      tpu.enqueue_dma source(%dma_start3A_47 : memref<40x128xi32, #tpu.memory_space<hbm>>) target(%arg4 : memref<40x128xi32, #tpu.memory_space<vmem>>) target_semaphore(%run_scoped3A : memref<!tpu.dma_semaphore, #tpu.memory_space<semaphore_mem>>)
      %dma_wait3A = arith.constant 0 : i32
      %dma_wait3A_48 = tpu.memref_slice %arg2[%mul3A_6, %dma_wait3A] : memref<1280x128xi32, #tpu.memory_space<hbm>> -> memref<40x128xi32, #tpu.memory_space<hbm>>
      %dma_wait3A_49 = arith.constant 0 : i32
      %dma_wait3A_50 = tpu.memref_slice %arg2[%mul3A_6, %dma_wait3A_49] : memref<1280x128xi32, #tpu.memory_space<hbm>> -> memref<40x128xi32, #tpu.memory_space<hbm>>
      tpu.wait_dma2 semaphore(%run_scoped3A : memref<!tpu.dma_semaphore, #tpu.memory_space<semaphore_mem>>) src(%dma_wait3A_50 : memref<40x128xi32, #tpu.memory_space<hbm>>) dst(%arg4 : memref<40x128xi32, #tpu.memory_space<vmem>>)
      tpu.yield
    }) : () -> ()
    %mul3A_7 = arith.constant 5 : i32
    %mul3A_8 = arith.muli %arg1, %mul3A_7 : i32
    %add3A_9 = arith.constant 0 : i32
    %add3A_10 = arith.addi %mul3A_8, %add3A_9 : i32
    %mul3A_11 = arith.constant 128 : i32
    %mul3A_12 = arith.muli %add3A_10, %mul3A_11 : i32
    "tpu.region"() ({
      %run_scoped3A = tpu.sem_alloc : memref<!tpu.dma_semaphore, #tpu.memory_space<semaphore_mem>>
      %dma_start3A = arith.constant 0 : i32
      %dma_start3A_45 = tpu.memref_slice %arg7[%mul3A_12, %dma_start3A] : memref<10240x16xf32, #tpu.memory_space<vmem_shared>> -> memref<128x16xf32, #tpu.memory_space<vmem_shared>>
      %dma_start3A_46 = arith.constant 0 : i32
      %dma_start3A_47 = tpu.memref_slice %arg7[%mul3A_12, %dma_start3A_46] : memref<10240x16xf32, #tpu.memory_space<vmem_shared>> -> memref<128x16xf32, #tpu.memory_space<vmem_shared>>
      tpu.enqueue_dma source(%arg6 : memref<128x16xf32, #tpu.memory_space<vmem>>) target(%dma_start3A_47 : memref<128x16xf32, #tpu.memory_space<vmem_shared>>) target_semaphore(%run_scoped3A : memref<!tpu.dma_semaphore, #tpu.memory_space<semaphore_mem>>)
      %dma_wait3A = arith.constant 0 : i32
      %dma_wait3A_48 = tpu.memref_slice %arg7[%mul3A_12, %dma_wait3A] : memref<10240x16xf32, #tpu.memory_space<vmem_shared>> -> memref<128x16xf32, #tpu.memory_space<vmem_shared>>
      %dma_wait3A_49 = arith.constant 0 : i32
      %dma_wait3A_50 = tpu.memref_slice %arg7[%mul3A_12, %dma_wait3A_49] : memref<10240x16xf32, #tpu.memory_space<vmem_shared>> -> memref<128x16xf32, #tpu.memory_space<vmem_shared>>
      tpu.wait_dma2 semaphore(%run_scoped3A : memref<!tpu.dma_semaphore, #tpu.memory_space<semaphore_mem>>) src(%arg6 : memref<128x16xf32, #tpu.memory_space<vmem>>) dst(%dma_wait3A_50 : memref<128x16xf32, #tpu.memory_space<vmem_shared>>)
      tpu.yield
    }) : () -> ()
    %mul3A_13 = arith.constant 5 : i32
    %mul3A_14 = arith.muli %arg1, %mul3A_13 : i32
    %add3A_15 = arith.constant 1 : i32
    %add3A_16 = arith.addi %mul3A_14, %add3A_15 : i32
    %mul3A_17 = arith.constant 128 : i32
    %mul3A_18 = arith.muli %add3A_16, %mul3A_17 : i32
    "tpu.region"() ({
      %run_scoped3A = tpu.sem_alloc : memref<!tpu.dma_semaphore, #tpu.memory_space<semaphore_mem>>
      %dma_start3A = arith.constant 0 : i32
      %dma_start3A_45 = tpu.memref_slice %arg7[%mul3A_18, %dma_start3A] : memref<10240x16xf32, #tpu.memory_space<vmem_shared>> -> memref<128x16xf32, #tpu.memory_space<vmem_shared>>
      %dma_start3A_46 = arith.constant 0 : i32
      %dma_start3A_47 = tpu.memref_slice %arg7[%mul3A_18, %dma_start3A_46] : memref<10240x16xf32, #tpu.memory_space<vmem_shared>> -> memref<128x16xf32, #tpu.memory_space<vmem_shared>>
      tpu.enqueue_dma source(%arg6 : memref<128x16xf32, #tpu.memory_space<vmem>>) target(%dma_start3A_47 : memref<128x16xf32, #tpu.memory_space<vmem_shared>>) target_semaphore(%run_scoped3A : memref<!tpu.dma_semaphore, #tpu.memory_space<semaphore_mem>>)
      %dma_wait3A = arith.constant 0 : i32
      %dma_wait3A_48 = tpu.memref_slice %arg7[%mul3A_18, %dma_wait3A] : memref<10240x16xf32, #tpu.memory_space<vmem_shared>> -> memref<128x16xf32, #tpu.memory_space<vmem_shared>>
      %dma_wait3A_49 = arith.constant 0 : i32
      %dma_wait3A_50 = tpu.memref_slice %arg7[%mul3A_18, %dma_wait3A_49] : memref<10240x16xf32, #tpu.memory_space<vmem_shared>> -> memref<128x16xf32, #tpu.memory_space<vmem_shared>>
      tpu.wait_dma2 semaphore(%run_scoped3A : memref<!tpu.dma_semaphore, #tpu.memory_space<semaphore_mem>>) src(%arg6 : memref<128x16xf32, #tpu.memory_space<vmem>>) dst(%dma_wait3A_50 : memref<128x16xf32, #tpu.memory_space<vmem_shared>>)
      tpu.yield
    }) : () -> ()
    %mul3A_19 = arith.constant 5 : i32
    %mul3A_20 = arith.muli %arg1, %mul3A_19 : i32
    %add3A_21 = arith.constant 2 : i32
    %add3A_22 = arith.addi %mul3A_20, %add3A_21 : i32
    %mul3A_23 = arith.constant 128 : i32
    %mul3A_24 = arith.muli %add3A_22, %mul3A_23 : i32
    "tpu.region"() ({
      %run_scoped3A = tpu.sem_alloc : memref<!tpu.dma_semaphore, #tpu.memory_space<semaphore_mem>>
      %dma_start3A = arith.constant 0 : i32
      %dma_start3A_45 = tpu.memref_slice %arg7[%mul3A_24, %dma_start3A] : memref<10240x16xf32, #tpu.memory_space<vmem_shared>> -> memref<128x16xf32, #tpu.memory_space<vmem_shared>>
      %dma_start3A_46 = arith.constant 0 : i32
      %dma_start3A_47 = tpu.memref_slice %arg7[%mul3A_24, %dma_start3A_46] : memref<10240x16xf32, #tpu.memory_space<vmem_shared>> -> memref<128x16xf32, #tpu.memory_space<vmem_shared>>
      tpu.enqueue_dma source(%arg6 : memref<128x16xf32, #tpu.memory_space<vmem>>) target(%dma_start3A_47 : memref<128x16xf32, #tpu.memory_space<vmem_shared>>) target_semaphore(%run_scoped3A : memref<!tpu.dma_semaphore, #tpu.memory_space<semaphore_mem>>)
      %dma_wait3A = arith.constant 0 : i32
      %dma_wait3A_48 = tpu.memref_slice %arg7[%mul3A_24, %dma_wait3A] : memref<10240x16xf32, #tpu.memory_space<vmem_shared>> -> memref<128x16xf32, #tpu.memory_space<vmem_shared>>
      %dma_wait3A_49 = arith.constant 0 : i32
      %dma_wait3A_50 = tpu.memref_slice %arg7[%mul3A_24, %dma_wait3A_49] : memref<10240x16xf32, #tpu.memory_space<vmem_shared>> -> memref<128x16xf32, #tpu.memory_space<vmem_shared>>
      tpu.wait_dma2 semaphore(%run_scoped3A : memref<!tpu.dma_semaphore, #tpu.memory_space<semaphore_mem>>) src(%arg6 : memref<128x16xf32, #tpu.memory_space<vmem>>) dst(%dma_wait3A_50 : memref<128x16xf32, #tpu.memory_space<vmem_shared>>)
      tpu.yield
    }) : () -> ()
    %mul3A_25 = arith.constant 5 : i32
    %mul3A_26 = arith.muli %arg1, %mul3A_25 : i32
    %add3A_27 = arith.constant 3 : i32
    %add3A_28 = arith.addi %mul3A_26, %add3A_27 : i32
    %mul3A_29 = arith.constant 128 : i32
    %mul3A_30 = arith.muli %add3A_28, %mul3A_29 : i32
    "tpu.region"() ({
      %run_scoped3A = tpu.sem_alloc : memref<!tpu.dma_semaphore, #tpu.memory_space<semaphore_mem>>
      %dma_start3A = arith.constant 0 : i32
      %dma_start3A_45 = tpu.memref_slice %arg7[%mul3A_30, %dma_start3A] : memref<10240x16xf32, #tpu.memory_space<vmem_shared>> -> memref<128x16xf32, #tpu.memory_space<vmem_shared>>
      %dma_start3A_46 = arith.constant 0 : i32
      %dma_start3A_47 = tpu.memref_slice %arg7[%mul3A_30, %dma_start3A_46] : memref<10240x16xf32, #tpu.memory_space<vmem_shared>> -> memref<128x16xf32, #tpu.memory_space<vmem_shared>>
      tpu.enqueue_dma source(%arg6 : memref<128x16xf32, #tpu.memory_space<vmem>>) target(%dma_start3A_47 : memref<128x16xf32, #tpu.memory_space<vmem_shared>>) target_semaphore(%run_scoped3A : memref<!tpu.dma_semaphore, #tpu.memory_space<semaphore_mem>>)
      %dma_wait3A = arith.constant 0 : i32
      %dma_wait3A_48 = tpu.memref_slice %arg7[%mul3A_30, %dma_wait3A] : memref<10240x16xf32, #tpu.memory_space<vmem_shared>> -> memref<128x16xf32, #tpu.memory_space<vmem_shared>>
      %dma_wait3A_49 = arith.constant 0 : i32
      %dma_wait3A_50 = tpu.memref_slice %arg7[%mul3A_30, %dma_wait3A_49] : memref<10240x16xf32, #tpu.memory_space<vmem_shared>> -> memref<128x16xf32, #tpu.memory_space<vmem_shared>>
      tpu.wait_dma2 semaphore(%run_scoped3A : memref<!tpu.dma_semaphore, #tpu.memory_space<semaphore_mem>>) src(%arg6 : memref<128x16xf32, #tpu.memory_space<vmem>>) dst(%dma_wait3A_50 : memref<128x16xf32, #tpu.memory_space<vmem_shared>>)
      tpu.yield
    }) : () -> ()
    %mul3A_31 = arith.constant 5 : i32
    %mul3A_32 = arith.muli %arg1, %mul3A_31 : i32
    %add3A_33 = arith.constant 4 : i32
    %add3A_34 = arith.addi %mul3A_32, %add3A_33 : i32
    %mul3A_35 = arith.constant 128 : i32
    %mul3A_36 = arith.muli %add3A_34, %mul3A_35 : i32
    "tpu.region"() ({
      %run_scoped3A = tpu.sem_alloc : memref<!tpu.dma_semaphore, #tpu.memory_space<semaphore_mem>>
      %dma_start3A = arith.constant 0 : i32
      %dma_start3A_45 = tpu.memref_slice %arg7[%mul3A_36, %dma_start3A] : memref<10240x16xf32, #tpu.memory_space<vmem_shared>> -> memref<128x16xf32, #tpu.memory_space<vmem_shared>>
      %dma_start3A_46 = arith.constant 0 : i32
      %dma_start3A_47 = tpu.memref_slice %arg7[%mul3A_36, %dma_start3A_46] : memref<10240x16xf32, #tpu.memory_space<vmem_shared>> -> memref<128x16xf32, #tpu.memory_space<vmem_shared>>
      tpu.enqueue_dma source(%arg6 : memref<128x16xf32, #tpu.memory_space<vmem>>) target(%dma_start3A_47 : memref<128x16xf32, #tpu.memory_space<vmem_shared>>) target_semaphore(%run_scoped3A : memref<!tpu.dma_semaphore, #tpu.memory_space<semaphore_mem>>)
      %dma_wait3A = arith.constant 0 : i32
      %dma_wait3A_48 = tpu.memref_slice %arg7[%mul3A_36, %dma_wait3A] : memref<10240x16xf32, #tpu.memory_space<vmem_shared>> -> memref<128x16xf32, #tpu.memory_space<vmem_shared>>
      %dma_wait3A_49 = arith.constant 0 : i32
      %dma_wait3A_50 = tpu.memref_slice %arg7[%mul3A_36, %dma_wait3A_49] : memref<10240x16xf32, #tpu.memory_space<vmem_shared>> -> memref<128x16xf32, #tpu.memory_space<vmem_shared>>
      tpu.wait_dma2 semaphore(%run_scoped3A : memref<!tpu.dma_semaphore, #tpu.memory_space<semaphore_mem>>) src(%arg6 : memref<128x16xf32, #tpu.memory_space<vmem>>) dst(%dma_wait3A_50 : memref<128x16xf32, #tpu.memory_space<vmem_shared>>)
      tpu.yield
    }) : () -> ()
    %barrier3A = arith.constant 0 : index
    tpu.barrier barrier_id(%barrier3A)
    %scan3A_37 = arith.constant 0 : i32
    %scan3A_38 = arith.constant 40 : i32
    %scan3A_39 = arith.addi %scan3A_37, %scan3A_38 : i32
    %scan3A_40 = arith.constant 1 : i32
    scf.for %scan3A_45 = %scan3A_37 to %scan3A_39 step %scan3A_40  : i32 {
      "tpu.region"() ({
        %run_scoped3A = tpu.sem_alloc : memref<!tpu.dma_semaphore, #tpu.memory_space<semaphore_mem>>
        %dma_start3A = arith.constant 0 : i32
        %dma_start3A_46 = tpu.memref_slice %arg4[%scan3A_45, %dma_start3A] : memref<40x128xi32, #tpu.memory_space<vmem>> -> memref<1x128xi32, #tpu.memory_space<vmem>>
        %dma_start3A_47 = tpu.memref_squeeze %dma_start3A_46 : memref<1x128xi32, #tpu.memory_space<vmem>> -> memref<128xi32, #tpu.memory_space<vmem>>
        %dma_start3A_48 = arith.constant 0 : i32
        %dma_start3A_49 = arith.constant 0 : i32
        %dma_start3A_50 = tpu.memref_slice %arg7[%dma_start3A_48, %dma_start3A_49] : memref<10240x16xf32, #tpu.memory_space<vmem_shared>> -> memref<10240x16xf32, #tpu.memory_space<vmem_shared>>
        tpu.enqueue_indirect_dma source(%arg5 : memref<128x16xf32, #tpu.memory_space<vmem>>) target(%dma_start3A_50 : memref<10240x16xf32, #tpu.memory_space<vmem_shared>>) offsets(%dma_start3A_47 : memref<128xi32, #tpu.memory_space<vmem>>) semaphore(%run_scoped3A : memref<!tpu.dma_semaphore, #tpu.memory_space<semaphore_mem>>) {add = true}
        %dma_wait3A = arith.constant 0 : i32
        %dma_wait3A_51 = tpu.memref_slice %arg4[%scan3A_45, %dma_wait3A] : memref<40x128xi32, #tpu.memory_space<vmem>> -> memref<1x128xi32, #tpu.memory_space<vmem>>
        %dma_wait3A_52 = tpu.memref_squeeze %dma_wait3A_51 : memref<1x128xi32, #tpu.memory_space<vmem>> -> memref<128xi32, #tpu.memory_space<vmem>>
        %dma_wait3A_53 = arith.constant 0 : i32
        %dma_wait3A_54 = arith.constant 0 : i32
        %dma_wait3A_55 = tpu.memref_slice %arg7[%dma_wait3A_53, %dma_wait3A_54] : memref<10240x16xf32, #tpu.memory_space<vmem_shared>> -> memref<10240x16xf32, #tpu.memory_space<vmem_shared>>
        tpu.wait_indirect_dma semaphore(%run_scoped3A : memref<!tpu.dma_semaphore, #tpu.memory_space<semaphore_mem>>) src(%arg5 : memref<128x16xf32, #tpu.memory_space<vmem>>) dst(%dma_wait3A_55 : memref<10240x16xf32, #tpu.memory_space<vmem_shared>>)
        tpu.yield
      }) : () -> ()
    }
    %scan3A_41 = arith.constant 40 : i32
    %barrier3A_42 = arith.constant 0 : index
    tpu.barrier barrier_id(%barrier3A_42)
    %lt3A = arith.constant 10 : i32
    %lt3A_43 = arith.cmpi slt, %arg1, %lt3A : i32
    %convert_element_type3A = arith.extui %lt3A_43 : i1 to i32
    %cond3A = arith.constant 0 : i32
    %cond3A_44 = arith.cmpi ne, %convert_element_type3A, %cond3A : i32
    scf.if %cond3A_44 {
      %mul3A_45 = arith.constant 1000 : i32
      %mul3A_46 = arith.muli %arg1, %mul3A_45 : i32
      %mul3A_47 = arith.constant 1000 : i32
      %mul3A_48 = arith.muli %arg1, %mul3A_47 : i32
      "tpu.region"() ({
        %run_scoped3A = tpu.sem_alloc : memref<!tpu.dma_semaphore, #tpu.memory_space<semaphore_mem>>
        %dma_start3A = arith.constant 0 : i32
        %dma_start3A_49 = tpu.memref_slice %arg3[%arg0, %mul3A_48, %dma_start3A] : memref<2x10000x16xf32, #tpu.memory_space<hbm>> -> memref<1x1000x16xf32, #tpu.memory_space<hbm>>
        %dma_start3A_50 = tpu.memref_squeeze %dma_start3A_49 : memref<1x1000x16xf32, #tpu.memory_space<hbm>> -> memref<1000x16xf32, #tpu.memory_space<hbm>>
        %dma_start3A_51 = arith.constant 0 : i32
        %dma_start3A_52 = tpu.memref_slice %arg7[%mul3A_46, %dma_start3A_51] : memref<10240x16xf32, #tpu.memory_space<vmem_shared>> -> memref<1000x16xf32, #tpu.memory_space<vmem_shared>>
        tpu.enqueue_dma source(%dma_start3A_52 : memref<1000x16xf32, #tpu.memory_space<vmem_shared>>) target(%dma_start3A_50 : memref<1000x16xf32, #tpu.memory_space<hbm>>) target_semaphore(%run_scoped3A : memref<!tpu.dma_semaphore, #tpu.memory_space<semaphore_mem>>)
        %dma_wait3A = arith.constant 0 : i32
        %dma_wait3A_53 = tpu.memref_slice %arg3[%arg0, %mul3A_48, %dma_wait3A] : memref<2x10000x16xf32, #tpu.memory_space<hbm>> -> memref<1x1000x16xf32, #tpu.memory_space<hbm>>
        %dma_wait3A_54 = tpu.memref_squeeze %dma_wait3A_53 : memref<1x1000x16xf32, #tpu.memory_space<hbm>> -> memref<1000x16xf32, #tpu.memory_space<hbm>>
        %dma_wait3A_55 = arith.constant 0 : i32
        %dma_wait3A_56 = tpu.memref_slice %arg7[%mul3A_46, %dma_wait3A_55] : memref<10240x16xf32, #tpu.memory_space<vmem_shared>> -> memref<1000x16xf32, #tpu.memory_space<vmem_shared>>
        tpu.wait_dma2 semaphore(%run_scoped3A : memref<!tpu.dma_semaphore, #tpu.memory_space<semaphore_mem>>) src(%dma_wait3A_56 : memref<1000x16xf32, #tpu.memory_space<vmem_shared>>) dst(%dma_wait3A_54 : memref<1000x16xf32, #tpu.memory_space<hbm>>)
        tpu.yield
      }) : () -> ()
    } else {
    }
    return
  }
}

#map = affine_map<(d0, d1) -> (0, 0)>
#map1 = affine_map<(d0, d1) -> (0, 0, 0)>
module attributes {stable_mosaic.version = 14 : i64} {
  func.func @_edge_agg_kernel(%arg0: i32, %arg1: i32, %arg2: memref<10240x128xf32, #tpu.memory_space<hbm>>, %arg3: memref<1280x128xi32, #tpu.memory_space<hbm>>, %arg4: memref<1280x128xi32, #tpu.memory_space<hbm>>, %arg5: memref<2x10000x128xf32, #tpu.memory_space<hbm>>, %arg6: memref<40x128xi32, #tpu.memory_space<vmem>>, %arg7: memref<40x128xi32, #tpu.memory_space<vmem>>, %arg8: memref<128x128xf32, #tpu.memory_space<vmem>>, %arg9: memref<128x128xf32, #tpu.memory_space<vmem>>, %arg10: memref<10240x128xf32, #tpu.memory_space<vmem_shared>>, %arg11: memref<!tpu.dma_semaphore, #tpu.memory_space<semaphore_mem>>) attributes {dimension_semantics = [#tpu.dimension_semantics<core_parallel>, #tpu.dimension_semantics<subcore_parallel>], iteration_bounds = array<i64: 2, 16>, scalar_prefetch = 0 : i64, scratch_operands = 6 : i64, tpu.core_type = #tpu.core_type<sc_vector_subcore>, window_params = [{transform_indices = #map}, {transform_indices = #map}, {transform_indices = #map}, {transform_indices = #map1}]} {
    %mul3A = arith.constant 16 : i32
    %mul3A_0 = arith.muli %arg0, %mul3A : i32
    %add3A = arith.addi %mul3A_0, %arg1 : i32
    %scan3A = arith.constant 0 : i32
    %scan3A_1 = arith.constant 128 : i32
    %scan3A_2 = arith.addi %scan3A, %scan3A_1 : i32
    %scan3A_3 = arith.constant 1 : i32
    scf.for %scan3A_47 = %scan3A to %scan3A_2 step %scan3A_3  : i32 {
      %broadcast_in_dim3A = arith.constant 0.000000e+00 : f32
      %broadcast_in_dim3A_48 = vector.broadcast %broadcast_in_dim3A : f32 to vector<16xf32>
      %swap3A = arith.index_cast %scan3A_47 : i32 to index
      %swap3A_49 = arith.constant 0 : index
      %swap3A_50 = tpu.vector_load %arg9[%swap3A, %swap3A_49] {strides = array<i32>} : memref<128x128xf32, #tpu.memory_space<vmem>>, vector<1x16xf32>,
      %swap3A_51 = vector.shape_cast %swap3A_50 : vector<1x16xf32> to vector<16xf32>
      %swap3A_52 = vector.shape_cast %broadcast_in_dim3A_48 : vector<16xf32> to vector<1x16xf32>
      tpu.vector_store %arg9[%swap3A, %swap3A_49], %swap3A_52 {strides = array<i32>} : memref<128x128xf32, #tpu.memory_space<vmem>>, vector<1x16xf32>,
      %broadcast_in_dim3A_53 = arith.constant 0.000000e+00 : f32
      %broadcast_in_dim3A_54 = vector.broadcast %broadcast_in_dim3A_53 : f32 to vector<16xf32>
      %swap3A_55 = arith.index_cast %scan3A_47 : i32 to index
      %swap3A_56 = arith.constant 16 : index
      %swap3A_57 = tpu.vector_load %arg9[%swap3A_55, %swap3A_56] {strides = array<i32>} : memref<128x128xf32, #tpu.memory_space<vmem>>, vector<1x16xf32>,
      %swap3A_58 = vector.shape_cast %swap3A_57 : vector<1x16xf32> to vector<16xf32>
      %swap3A_59 = vector.shape_cast %broadcast_in_dim3A_54 : vector<16xf32> to vector<1x16xf32>
      tpu.vector_store %arg9[%swap3A_55, %swap3A_56], %swap3A_59 {strides = array<i32>} : memref<128x128xf32, #tpu.memory_space<vmem>>, vector<1x16xf32>,
      %broadcast_in_dim3A_60 = arith.constant 0.000000e+00 : f32
      %broadcast_in_dim3A_61 = vector.broadcast %broadcast_in_dim3A_60 : f32 to vector<16xf32>
      %swap3A_62 = arith.index_cast %scan3A_47 : i32 to index
      %swap3A_63 = arith.constant 32 : index
      %swap3A_64 = tpu.vector_load %arg9[%swap3A_62, %swap3A_63] {strides = array<i32>} : memref<128x128xf32, #tpu.memory_space<vmem>>, vector<1x16xf32>,
      %swap3A_65 = vector.shape_cast %swap3A_64 : vector<1x16xf32> to vector<16xf32>
      %swap3A_66 = vector.shape_cast %broadcast_in_dim3A_61 : vector<16xf32> to vector<1x16xf32>
      tpu.vector_store %arg9[%swap3A_62, %swap3A_63], %swap3A_66 {strides = array<i32>} : memref<128x128xf32, #tpu.memory_space<vmem>>, vector<1x16xf32>,
      %broadcast_in_dim3A_67 = arith.constant 0.000000e+00 : f32
      %broadcast_in_dim3A_68 = vector.broadcast %broadcast_in_dim3A_67 : f32 to vector<16xf32>
      %swap3A_69 = arith.index_cast %scan3A_47 : i32 to index
      %swap3A_70 = arith.constant 48 : index
      %swap3A_71 = tpu.vector_load %arg9[%swap3A_69, %swap3A_70] {strides = array<i32>} : memref<128x128xf32, #tpu.memory_space<vmem>>, vector<1x16xf32>,
      %swap3A_72 = vector.shape_cast %swap3A_71 : vector<1x16xf32> to vector<16xf32>
      %swap3A_73 = vector.shape_cast %broadcast_in_dim3A_68 : vector<16xf32> to vector<1x16xf32>
      tpu.vector_store %arg9[%swap3A_69, %swap3A_70], %swap3A_73 {strides = array<i32>} : memref<128x128xf32, #tpu.memory_space<vmem>>, vector<1x16xf32>,
      %broadcast_in_dim3A_74 = arith.constant 0.000000e+00 : f32
      %broadcast_in_dim3A_75 = vector.broadcast %broadcast_in_dim3A_74 : f32 to vector<16xf32>
      %swap3A_76 = arith.index_cast %scan3A_47 : i32 to index
      %swap3A_77 = arith.constant 64 : index
      %swap3A_78 = tpu.vector_load %arg9[%swap3A_76, %swap3A_77] {strides = array<i32>} : memref<128x128xf32, #tpu.memory_space<vmem>>, vector<1x16xf32>,
      %swap3A_79 = vector.shape_cast %swap3A_78 : vector<1x16xf32> to vector<16xf32>
      %swap3A_80 = vector.shape_cast %broadcast_in_dim3A_75 : vector<16xf32> to vector<1x16xf32>
      tpu.vector_store %arg9[%swap3A_76, %swap3A_77], %swap3A_80 {strides = array<i32>} : memref<128x128xf32, #tpu.memory_space<vmem>>, vector<1x16xf32>,
      %broadcast_in_dim3A_81 = arith.constant 0.000000e+00 : f32
      %broadcast_in_dim3A_82 = vector.broadcast %broadcast_in_dim3A_81 : f32 to vector<16xf32>
      %swap3A_83 = arith.index_cast %scan3A_47 : i32 to index
      %swap3A_84 = arith.constant 80 : index
      %swap3A_85 = tpu.vector_load %arg9[%swap3A_83, %swap3A_84] {strides = array<i32>} : memref<128x128xf32, #tpu.memory_space<vmem>>, vector<1x16xf32>,
      %swap3A_86 = vector.shape_cast %swap3A_85 : vector<1x16xf32> to vector<16xf32>
      %swap3A_87 = vector.shape_cast %broadcast_in_dim3A_82 : vector<16xf32> to vector<1x16xf32>
      tpu.vector_store %arg9[%swap3A_83, %swap3A_84], %swap3A_87 {strides = array<i32>} : memref<128x128xf32, #tpu.memory_space<vmem>>, vector<1x16xf32>,
      %broadcast_in_dim3A_88 = arith.constant 0.000000e+00 : f32
      %broadcast_in_dim3A_89 = vector.broadcast %broadcast_in_dim3A_88 : f32 to vector<16xf32>
      %swap3A_90 = arith.index_cast %scan3A_47 : i32 to index
      %swap3A_91 = arith.constant 96 : index
      %swap3A_92 = tpu.vector_load %arg9[%swap3A_90, %swap3A_91] {strides = array<i32>} : memref<128x128xf32, #tpu.memory_space<vmem>>, vector<1x16xf32>,
      %swap3A_93 = vector.shape_cast %swap3A_92 : vector<1x16xf32> to vector<16xf32>
      %swap3A_94 = vector.shape_cast %broadcast_in_dim3A_89 : vector<16xf32> to vector<1x16xf32>
      tpu.vector_store %arg9[%swap3A_90, %swap3A_91], %swap3A_94 {strides = array<i32>} : memref<128x128xf32, #tpu.memory_space<vmem>>, vector<1x16xf32>,
      %broadcast_in_dim3A_95 = arith.constant 0.000000e+00 : f32
      %broadcast_in_dim3A_96 = vector.broadcast %broadcast_in_dim3A_95 : f32 to vector<16xf32>
      %swap3A_97 = arith.index_cast %scan3A_47 : i32 to index
      %swap3A_98 = arith.constant 112 : index
      %swap3A_99 = tpu.vector_load %arg9[%swap3A_97, %swap3A_98] {strides = array<i32>} : memref<128x128xf32, #tpu.memory_space<vmem>>, vector<1x16xf32>,
      %swap3A_100 = vector.shape_cast %swap3A_99 : vector<1x16xf32> to vector<16xf32>
      %swap3A_101 = vector.shape_cast %broadcast_in_dim3A_96 : vector<16xf32> to vector<1x16xf32>
      tpu.vector_store %arg9[%swap3A_97, %swap3A_98], %swap3A_101 {strides = array<i32>} : memref<128x128xf32, #tpu.memory_space<vmem>>, vector<1x16xf32>,
    }
    %scan3A_4 = arith.constant 128 : i32
    %mul3A_5 = arith.constant 40 : i32
    %mul3A_6 = arith.muli %add3A, %mul3A_5 : i32
    "tpu.region"() ({
      %run_scoped3A = tpu.sem_alloc : memref<!tpu.dma_semaphore, #tpu.memory_space<semaphore_mem>>
      %dma_start3A = arith.constant 0 : i32
      %dma_start3A_47 = tpu.memref_slice %arg3[%mul3A_6, %dma_start3A] : memref<1280x128xi32, #tpu.memory_space<hbm>> -> memref<40x128xi32, #tpu.memory_space<hbm>>
      %dma_start3A_48 = arith.constant 0 : i32
      %dma_start3A_49 = tpu.memref_slice %arg3[%mul3A_6, %dma_start3A_48] : memref<1280x128xi32, #tpu.memory_space<hbm>> -> memref<40x128xi32, #tpu.memory_space<hbm>>
      tpu.enqueue_dma source(%dma_start3A_49 : memref<40x128xi32, #tpu.memory_space<hbm>>) target(%arg6 : memref<40x128xi32, #tpu.memory_space<vmem>>) target_semaphore(%run_scoped3A : memref<!tpu.dma_semaphore, #tpu.memory_space<semaphore_mem>>)
      %dma_wait3A = arith.constant 0 : i32
      %dma_wait3A_50 = tpu.memref_slice %arg3[%mul3A_6, %dma_wait3A] : memref<1280x128xi32, #tpu.memory_space<hbm>> -> memref<40x128xi32, #tpu.memory_space<hbm>>
      %dma_wait3A_51 = arith.constant 0 : i32
      %dma_wait3A_52 = tpu.memref_slice %arg3[%mul3A_6, %dma_wait3A_51] : memref<1280x128xi32, #tpu.memory_space<hbm>> -> memref<40x128xi32, #tpu.memory_space<hbm>>
      tpu.wait_dma2 semaphore(%run_scoped3A : memref<!tpu.dma_semaphore, #tpu.memory_space<semaphore_mem>>) src(%dma_wait3A_52 : memref<40x128xi32, #tpu.memory_space<hbm>>) dst(%arg6 : memref<40x128xi32, #tpu.memory_space<vmem>>)
      tpu.yield
    }) : () -> ()
    %mul3A_7 = arith.constant 40 : i32
    %mul3A_8 = arith.muli %add3A, %mul3A_7 : i32
    "tpu.region"() ({
      %run_scoped3A = tpu.sem_alloc : memref<!tpu.dma_semaphore, #tpu.memory_space<semaphore_mem>>
      %dma_start3A = arith.constant 0 : i32
      %dma_start3A_47 = tpu.memref_slice %arg4[%mul3A_8, %dma_start3A] : memref<1280x128xi32, #tpu.memory_space<hbm>> -> memref<40x128xi32, #tpu.memory_space<hbm>>
      %dma_start3A_48 = arith.constant 0 : i32
      %dma_start3A_49 = tpu.memref_slice %arg4[%mul3A_8, %dma_start3A_48] : memref<1280x128xi32, #tpu.memory_space<hbm>> -> memref<40x128xi32, #tpu.memory_space<hbm>>
      tpu.enqueue_dma source(%dma_start3A_49 : memref<40x128xi32, #tpu.memory_space<hbm>>) target(%arg7 : memref<40x128xi32, #tpu.memory_space<vmem>>) target_semaphore(%run_scoped3A : memref<!tpu.dma_semaphore, #tpu.memory_space<semaphore_mem>>)
      %dma_wait3A = arith.constant 0 : i32
      %dma_wait3A_50 = tpu.memref_slice %arg4[%mul3A_8, %dma_wait3A] : memref<1280x128xi32, #tpu.memory_space<hbm>> -> memref<40x128xi32, #tpu.memory_space<hbm>>
      %dma_wait3A_51 = arith.constant 0 : i32
      %dma_wait3A_52 = tpu.memref_slice %arg4[%mul3A_8, %dma_wait3A_51] : memref<1280x128xi32, #tpu.memory_space<hbm>> -> memref<40x128xi32, #tpu.memory_space<hbm>>
      tpu.wait_dma2 semaphore(%run_scoped3A : memref<!tpu.dma_semaphore, #tpu.memory_space<semaphore_mem>>) src(%dma_wait3A_52 : memref<40x128xi32, #tpu.memory_space<hbm>>) dst(%arg7 : memref<40x128xi32, #tpu.memory_space<vmem>>)
      tpu.yield
    }) : () -> ()
    %mul3A_9 = arith.constant 5 : i32
    %mul3A_10 = arith.muli %arg1, %mul3A_9 : i32
    %add3A_11 = arith.constant 0 : i32
    %add3A_12 = arith.addi %mul3A_10, %add3A_11 : i32
    %mul3A_13 = arith.constant 128 : i32
    %mul3A_14 = arith.muli %add3A_12, %mul3A_13 : i32
    "tpu.region"() ({
      %run_scoped3A = tpu.sem_alloc : memref<!tpu.dma_semaphore, #tpu.memory_space<semaphore_mem>>
      %dma_start3A = arith.constant 0 : i32
      %dma_start3A_47 = tpu.memref_slice %arg10[%mul3A_14, %dma_start3A] : memref<10240x128xf32, #tpu.memory_space<vmem_shared>> -> memref<128x128xf32, #tpu.memory_space<vmem_shared>>
      %dma_start3A_48 = arith.constant 0 : i32
      %dma_start3A_49 = tpu.memref_slice %arg10[%mul3A_14, %dma_start3A_48] : memref<10240x128xf32, #tpu.memory_space<vmem_shared>> -> memref<128x128xf32, #tpu.memory_space<vmem_shared>>
      tpu.enqueue_dma source(%arg9 : memref<128x128xf32, #tpu.memory_space<vmem>>) target(%dma_start3A_49 : memref<128x128xf32, #tpu.memory_space<vmem_shared>>) target_semaphore(%run_scoped3A : memref<!tpu.dma_semaphore, #tpu.memory_space<semaphore_mem>>)
      %dma_wait3A = arith.constant 0 : i32
      %dma_wait3A_50 = tpu.memref_slice %arg10[%mul3A_14, %dma_wait3A] : memref<10240x128xf32, #tpu.memory_space<vmem_shared>> -> memref<128x128xf32, #tpu.memory_space<vmem_shared>>
      %dma_wait3A_51 = arith.constant 0 : i32
      %dma_wait3A_52 = tpu.memref_slice %arg10[%mul3A_14, %dma_wait3A_51] : memref<10240x128xf32, #tpu.memory_space<vmem_shared>> -> memref<128x128xf32, #tpu.memory_space<vmem_shared>>
      tpu.wait_dma2 semaphore(%run_scoped3A : memref<!tpu.dma_semaphore, #tpu.memory_space<semaphore_mem>>) src(%arg9 : memref<128x128xf32, #tpu.memory_space<vmem>>) dst(%dma_wait3A_52 : memref<128x128xf32, #tpu.memory_space<vmem_shared>>)
      tpu.yield
    }) : () -> ()
    %mul3A_15 = arith.constant 5 : i32
    %mul3A_16 = arith.muli %arg1, %mul3A_15 : i32
    %add3A_17 = arith.constant 1 : i32
    %add3A_18 = arith.addi %mul3A_16, %add3A_17 : i32
    %mul3A_19 = arith.constant 128 : i32
    %mul3A_20 = arith.muli %add3A_18, %mul3A_19 : i32
    "tpu.region"() ({
      %run_scoped3A = tpu.sem_alloc : memref<!tpu.dma_semaphore, #tpu.memory_space<semaphore_mem>>
      %dma_start3A = arith.constant 0 : i32
      %dma_start3A_47 = tpu.memref_slice %arg10[%mul3A_20, %dma_start3A] : memref<10240x128xf32, #tpu.memory_space<vmem_shared>> -> memref<128x128xf32, #tpu.memory_space<vmem_shared>>
      %dma_start3A_48 = arith.constant 0 : i32
      %dma_start3A_49 = tpu.memref_slice %arg10[%mul3A_20, %dma_start3A_48] : memref<10240x128xf32, #tpu.memory_space<vmem_shared>> -> memref<128x128xf32, #tpu.memory_space<vmem_shared>>
      tpu.enqueue_dma source(%arg9 : memref<128x128xf32, #tpu.memory_space<vmem>>) target(%dma_start3A_49 : memref<128x128xf32, #tpu.memory_space<vmem_shared>>) target_semaphore(%run_scoped3A : memref<!tpu.dma_semaphore, #tpu.memory_space<semaphore_mem>>)
      %dma_wait3A = arith.constant 0 : i32
      %dma_wait3A_50 = tpu.memref_slice %arg10[%mul3A_20, %dma_wait3A] : memref<10240x128xf32, #tpu.memory_space<vmem_shared>> -> memref<128x128xf32, #tpu.memory_space<vmem_shared>>
      %dma_wait3A_51 = arith.constant 0 : i32
      %dma_wait3A_52 = tpu.memref_slice %arg10[%mul3A_20, %dma_wait3A_51] : memref<10240x128xf32, #tpu.memory_space<vmem_shared>> -> memref<128x128xf32, #tpu.memory_space<vmem_shared>>
      tpu.wait_dma2 semaphore(%run_scoped3A : memref<!tpu.dma_semaphore, #tpu.memory_space<semaphore_mem>>) src(%arg9 : memref<128x128xf32, #tpu.memory_space<vmem>>) dst(%dma_wait3A_52 : memref<128x128xf32, #tpu.memory_space<vmem_shared>>)
      tpu.yield
    }) : () -> ()
    %mul3A_21 = arith.constant 5 : i32
    %mul3A_22 = arith.muli %arg1, %mul3A_21 : i32
    %add3A_23 = arith.constant 2 : i32
    %add3A_24 = arith.addi %mul3A_22, %add3A_23 : i32
    %mul3A_25 = arith.constant 128 : i32
    %mul3A_26 = arith.muli %add3A_24, %mul3A_25 : i32
    "tpu.region"() ({
      %run_scoped3A = tpu.sem_alloc : memref<!tpu.dma_semaphore, #tpu.memory_space<semaphore_mem>>
      %dma_start3A = arith.constant 0 : i32
      %dma_start3A_47 = tpu.memref_slice %arg10[%mul3A_26, %dma_start3A] : memref<10240x128xf32, #tpu.memory_space<vmem_shared>> -> memref<128x128xf32, #tpu.memory_space<vmem_shared>>
      %dma_start3A_48 = arith.constant 0 : i32
      %dma_start3A_49 = tpu.memref_slice %arg10[%mul3A_26, %dma_start3A_48] : memref<10240x128xf32, #tpu.memory_space<vmem_shared>> -> memref<128x128xf32, #tpu.memory_space<vmem_shared>>
      tpu.enqueue_dma source(%arg9 : memref<128x128xf32, #tpu.memory_space<vmem>>) target(%dma_start3A_49 : memref<128x128xf32, #tpu.memory_space<vmem_shared>>) target_semaphore(%run_scoped3A : memref<!tpu.dma_semaphore, #tpu.memory_space<semaphore_mem>>)
      %dma_wait3A = arith.constant 0 : i32
      %dma_wait3A_50 = tpu.memref_slice %arg10[%mul3A_26, %dma_wait3A] : memref<10240x128xf32, #tpu.memory_space<vmem_shared>> -> memref<128x128xf32, #tpu.memory_space<vmem_shared>>
      %dma_wait3A_51 = arith.constant 0 : i32
      %dma_wait3A_52 = tpu.memref_slice %arg10[%mul3A_26, %dma_wait3A_51] : memref<10240x128xf32, #tpu.memory_space<vmem_shared>> -> memref<128x128xf32, #tpu.memory_space<vmem_shared>>
      tpu.wait_dma2 semaphore(%run_scoped3A : memref<!tpu.dma_semaphore, #tpu.memory_space<semaphore_mem>>) src(%arg9 : memref<128x128xf32, #tpu.memory_space<vmem>>) dst(%dma_wait3A_52 : memref<128x128xf32, #tpu.memory_space<vmem_shared>>)
      tpu.yield
    }) : () -> ()
    %mul3A_27 = arith.constant 5 : i32
    %mul3A_28 = arith.muli %arg1, %mul3A_27 : i32
    %add3A_29 = arith.constant 3 : i32
    %add3A_30 = arith.addi %mul3A_28, %add3A_29 : i32
    %mul3A_31 = arith.constant 128 : i32
    %mul3A_32 = arith.muli %add3A_30, %mul3A_31 : i32
    "tpu.region"() ({
      %run_scoped3A = tpu.sem_alloc : memref<!tpu.dma_semaphore, #tpu.memory_space<semaphore_mem>>
      %dma_start3A = arith.constant 0 : i32
      %dma_start3A_47 = tpu.memref_slice %arg10[%mul3A_32, %dma_start3A] : memref<10240x128xf32, #tpu.memory_space<vmem_shared>> -> memref<128x128xf32, #tpu.memory_space<vmem_shared>>
      %dma_start3A_48 = arith.constant 0 : i32
      %dma_start3A_49 = tpu.memref_slice %arg10[%mul3A_32, %dma_start3A_48] : memref<10240x128xf32, #tpu.memory_space<vmem_shared>> -> memref<128x128xf32, #tpu.memory_space<vmem_shared>>
      tpu.enqueue_dma source(%arg9 : memref<128x128xf32, #tpu.memory_space<vmem>>) target(%dma_start3A_49 : memref<128x128xf32, #tpu.memory_space<vmem_shared>>) target_semaphore(%run_scoped3A : memref<!tpu.dma_semaphore, #tpu.memory_space<semaphore_mem>>)
      %dma_wait3A = arith.constant 0 : i32
      %dma_wait3A_50 = tpu.memref_slice %arg10[%mul3A_32, %dma_wait3A] : memref<10240x128xf32, #tpu.memory_space<vmem_shared>> -> memref<128x128xf32, #tpu.memory_space<vmem_shared>>
      %dma_wait3A_51 = arith.constant 0 : i32
      %dma_wait3A_52 = tpu.memref_slice %arg10[%mul3A_32, %dma_wait3A_51] : memref<10240x128xf32, #tpu.memory_space<vmem_shared>> -> memref<128x128xf32, #tpu.memory_space<vmem_shared>>
      tpu.wait_dma2 semaphore(%run_scoped3A : memref<!tpu.dma_semaphore, #tpu.memory_space<semaphore_mem>>) src(%arg9 : memref<128x128xf32, #tpu.memory_space<vmem>>) dst(%dma_wait3A_52 : memref<128x128xf32, #tpu.memory_space<vmem_shared>>)
      tpu.yield
    }) : () -> ()
    %mul3A_33 = arith.constant 5 : i32
    %mul3A_34 = arith.muli %arg1, %mul3A_33 : i32
    %add3A_35 = arith.constant 4 : i32
    %add3A_36 = arith.addi %mul3A_34, %add3A_35 : i32
    %mul3A_37 = arith.constant 128 : i32
    %mul3A_38 = arith.muli %add3A_36, %mul3A_37 : i32
    "tpu.region"() ({
      %run_scoped3A = tpu.sem_alloc : memref<!tpu.dma_semaphore, #tpu.memory_space<semaphore_mem>>
      %dma_start3A = arith.constant 0 : i32
      %dma_start3A_47 = tpu.memref_slice %arg10[%mul3A_38, %dma_start3A] : memref<10240x128xf32, #tpu.memory_space<vmem_shared>> -> memref<128x128xf32, #tpu.memory_space<vmem_shared>>
      %dma_start3A_48 = arith.constant 0 : i32
      %dma_start3A_49 = tpu.memref_slice %arg10[%mul3A_38, %dma_start3A_48] : memref<10240x128xf32, #tpu.memory_space<vmem_shared>> -> memref<128x128xf32, #tpu.memory_space<vmem_shared>>
      tpu.enqueue_dma source(%arg9 : memref<128x128xf32, #tpu.memory_space<vmem>>) target(%dma_start3A_49 : memref<128x128xf32, #tpu.memory_space<vmem_shared>>) target_semaphore(%run_scoped3A : memref<!tpu.dma_semaphore, #tpu.memory_space<semaphore_mem>>)
      %dma_wait3A = arith.constant 0 : i32
      %dma_wait3A_50 = tpu.memref_slice %arg10[%mul3A_38, %dma_wait3A] : memref<10240x128xf32, #tpu.memory_space<vmem_shared>> -> memref<128x128xf32, #tpu.memory_space<vmem_shared>>
      %dma_wait3A_51 = arith.constant 0 : i32
      %dma_wait3A_52 = tpu.memref_slice %arg10[%mul3A_38, %dma_wait3A_51] : memref<10240x128xf32, #tpu.memory_space<vmem_shared>> -> memref<128x128xf32, #tpu.memory_space<vmem_shared>>
      tpu.wait_dma2 semaphore(%run_scoped3A : memref<!tpu.dma_semaphore, #tpu.memory_space<semaphore_mem>>) src(%arg9 : memref<128x128xf32, #tpu.memory_space<vmem>>) dst(%dma_wait3A_52 : memref<128x128xf32, #tpu.memory_space<vmem_shared>>)
      tpu.yield
    }) : () -> ()
    %barrier3A = arith.constant 0 : index
    tpu.barrier barrier_id(%barrier3A)
    %scan3A_39 = arith.constant 0 : i32
    %scan3A_40 = arith.constant 40 : i32
    %scan3A_41 = arith.addi %scan3A_39, %scan3A_40 : i32
    %scan3A_42 = arith.constant 1 : i32
    scf.for %scan3A_47 = %scan3A_39 to %scan3A_41 step %scan3A_42  : i32 {
      %dma_start3A = arith.constant 0 : i32
      %dma_start3A_48 = tpu.memref_slice %arg6[%scan3A_47, %dma_start3A] : memref<40x128xi32, #tpu.memory_space<vmem>> -> memref<1x128xi32, #tpu.memory_space<vmem>>
      %dma_start3A_49 = tpu.memref_squeeze %dma_start3A_48 : memref<1x128xi32, #tpu.memory_space<vmem>> -> memref<128xi32, #tpu.memory_space<vmem>>
      %dma_start3A_50 = arith.constant 0 : i32
      %dma_start3A_51 = arith.constant 0 : i32
      %dma_start3A_52 = tpu.memref_slice %arg2[%dma_start3A_50, %dma_start3A_51] : memref<10240x128xf32, #tpu.memory_space<hbm>> -> memref<10240x128xf32, #tpu.memory_space<hbm>>
      tpu.enqueue_indirect_dma source(%dma_start3A_52 : memref<10240x128xf32, #tpu.memory_space<hbm>>) target(%arg8 : memref<128x128xf32, #tpu.memory_space<vmem>>) offsets(%dma_start3A_49 : memref<128xi32, #tpu.memory_space<vmem>>) semaphore(%arg11 : memref<!tpu.dma_semaphore, #tpu.memory_space<semaphore_mem>>)
      %dma_wait3A = arith.constant 0 : i32
      %dma_wait3A_53 = tpu.memref_slice %arg6[%scan3A_47, %dma_wait3A] : memref<40x128xi32, #tpu.memory_space<vmem>> -> memref<1x128xi32, #tpu.memory_space<vmem>>
      %dma_wait3A_54 = tpu.memref_squeeze %dma_wait3A_53 : memref<1x128xi32, #tpu.memory_space<vmem>> -> memref<128xi32, #tpu.memory_space<vmem>>
      %dma_wait3A_55 = arith.constant 0 : i32
      %dma_wait3A_56 = arith.constant 0 : i32
      %dma_wait3A_57 = tpu.memref_slice %arg2[%dma_wait3A_55, %dma_wait3A_56] : memref<10240x128xf32, #tpu.memory_space<hbm>> -> memref<10240x128xf32, #tpu.memory_space<hbm>>
      tpu.wait_indirect_dma semaphore(%arg11 : memref<!tpu.dma_semaphore, #tpu.memory_space<semaphore_mem>>) src(%dma_wait3A_57 : memref<10240x128xf32, #tpu.memory_space<hbm>>) dst(%arg8 : memref<128x128xf32, #tpu.memory_space<vmem>>)
      "tpu.region"() ({
        %run_scoped3A = tpu.sem_alloc : memref<!tpu.dma_semaphore, #tpu.memory_space<semaphore_mem>>
        %dma_start3A_58 = arith.constant 0 : i32
        %dma_start3A_59 = tpu.memref_slice %arg7[%scan3A_47, %dma_start3A_58] : memref<40x128xi32, #tpu.memory_space<vmem>> -> memref<1x128xi32, #tpu.memory_space<vmem>>
        %dma_start3A_60 = tpu.memref_squeeze %dma_start3A_59 : memref<1x128xi32, #tpu.memory_space<vmem>> -> memref<128xi32, #tpu.memory_space<vmem>>
        %dma_start3A_61 = arith.constant 0 : i32
        %dma_start3A_62 = arith.constant 0 : i32
        %dma_start3A_63 = tpu.memref_slice %arg10[%dma_start3A_61, %dma_start3A_62] : memref<10240x128xf32, #tpu.memory_space<vmem_shared>> -> memref<10240x128xf32, #tpu.memory_space<vmem_shared>>
        tpu.enqueue_indirect_dma source(%arg8 : memref<128x128xf32, #tpu.memory_space<vmem>>) target(%dma_start3A_63 : memref<10240x128xf32, #tpu.memory_space<vmem_shared>>) offsets(%dma_start3A_60 : memref<128xi32, #tpu.memory_space<vmem>>) semaphore(%run_scoped3A : memref<!tpu.dma_semaphore, #tpu.memory_space<semaphore_mem>>) {add = true}
        %dma_wait3A_64 = arith.constant 0 : i32
        %dma_wait3A_65 = tpu.memref_slice %arg7[%scan3A_47, %dma_wait3A_64] : memref<40x128xi32, #tpu.memory_space<vmem>> -> memref<1x128xi32, #tpu.memory_space<vmem>>
        %dma_wait3A_66 = tpu.memref_squeeze %dma_wait3A_65 : memref<1x128xi32, #tpu.memory_space<vmem>> -> memref<128xi32, #tpu.memory_space<vmem>>
        %dma_wait3A_67 = arith.constant 0 : i32
        %dma_wait3A_68 = arith.constant 0 : i32
        %dma_wait3A_69 = tpu.memref_slice %arg10[%dma_wait3A_67, %dma_wait3A_68] : memref<10240x128xf32, #tpu.memory_space<vmem_shared>> -> memref<10240x128xf32, #tpu.memory_space<vmem_shared>>
        tpu.wait_indirect_dma semaphore(%run_scoped3A : memref<!tpu.dma_semaphore, #tpu.memory_space<semaphore_mem>>) src(%arg8 : memref<128x128xf32, #tpu.memory_space<vmem>>) dst(%dma_wait3A_69 : memref<10240x128xf32, #tpu.memory_space<vmem_shared>>)
        tpu.yield
      }) : () -> ()
    }
    %scan3A_43 = arith.constant 40 : i32
    %barrier3A_44 = arith.constant 0 : index
    tpu.barrier barrier_id(%barrier3A_44)
    %lt3A = arith.constant 10 : i32
    %lt3A_45 = arith.cmpi slt, %arg1, %lt3A : i32
    %convert_element_type3A = arith.extui %lt3A_45 : i1 to i32
    %cond3A = arith.constant 0 : i32
    %cond3A_46 = arith.cmpi ne, %convert_element_type3A, %cond3A : i32
    scf.if %cond3A_46 {
      %mul3A_47 = arith.constant 1000 : i32
      %mul3A_48 = arith.muli %arg1, %mul3A_47 : i32
      %mul3A_49 = arith.constant 1000 : i32
      %mul3A_50 = arith.muli %arg1, %mul3A_49 : i32
      "tpu.region"() ({
        %run_scoped3A = tpu.sem_alloc : memref<!tpu.dma_semaphore, #tpu.memory_space<semaphore_mem>>
        %dma_start3A = arith.constant 0 : i32
        %dma_start3A_51 = tpu.memref_slice %arg5[%arg0, %mul3A_50, %dma_start3A] : memref<2x10000x128xf32, #tpu.memory_space<hbm>> -> memref<1x1000x128xf32, #tpu.memory_space<hbm>>
        %dma_start3A_52 = tpu.memref_squeeze %dma_start3A_51 : memref<1x1000x128xf32, #tpu.memory_space<hbm>> -> memref<1000x128xf32, #tpu.memory_space<hbm>>
        %dma_start3A_53 = arith.constant 0 : i32
        %dma_start3A_54 = tpu.memref_slice %arg10[%mul3A_48, %dma_start3A_53] : memref<10240x128xf32, #tpu.memory_space<vmem_shared>> -> memref<1000x128xf32, #tpu.memory_space<vmem_shared>>
        tpu.enqueue_dma source(%dma_start3A_54 : memref<1000x128xf32, #tpu.memory_space<vmem_shared>>) target(%dma_start3A_52 : memref<1000x128xf32, #tpu.memory_space<hbm>>) target_semaphore(%run_scoped3A : memref<!tpu.dma_semaphore, #tpu.memory_space<semaphore_mem>>)
        %dma_wait3A = arith.constant 0 : i32
        %dma_wait3A_55 = tpu.memref_slice %arg5[%arg0, %mul3A_50, %dma_wait3A] : memref<2x10000x128xf32, #tpu.memory_space<hbm>> -> memref<1x1000x128xf32, #tpu.memory_space<hbm>>
        %dma_wait3A_56 = tpu.memref_squeeze %dma_wait3A_55 : memref<1x1000x128xf32, #tpu.memory_space<hbm>> -> memref<1000x128xf32, #tpu.memory_space<hbm>>
        %dma_wait3A_57 = arith.constant 0 : i32
        %dma_wait3A_58 = tpu.memref_slice %arg10[%mul3A_48, %dma_wait3A_57] : memref<10240x128xf32, #tpu.memory_space<vmem_shared>> -> memref<1000x128xf32, #tpu.memory_space<vmem_shared>>
        tpu.wait_dma2 semaphore(%run_scoped3A : memref<!tpu.dma_semaphore, #tpu.memory_space<semaphore_mem>>) src(%dma_wait3A_58 : memref<1000x128xf32, #tpu.memory_space<vmem_shared>>) dst(%dma_wait3A_56 : memref<1000x128xf32, #tpu.memory_space<hbm>>)
        tpu.yield
      }) : () -> ()
    } else {
    }
    return
  }
}

#map = affine_map<(d0, d1) -> (0, 0)>
#map1 = affine_map<(d0, d1) -> (0, 0, 0)>
module attributes {stable_mosaic.version = 14 : i64} {
  func.func @_edge_agg_kernel(%arg0: i32, %arg1: i32, %arg2: memref<10240x128xf32, #tpu.memory_space<hbm>>, %arg3: memref<1280x128xi32, #tpu.memory_space<hbm>>, %arg4: memref<1280x128xi32, #tpu.memory_space<hbm>>, %arg5: memref<2x10000x128xf32, #tpu.memory_space<hbm>>, %arg6: memref<40x128xi32, #tpu.memory_space<vmem>>, %arg7: memref<40x128xi32, #tpu.memory_space<vmem>>, %arg8: memref<128x128xf32, #tpu.memory_space<vmem>>, %arg9: memref<128x128xf32, #tpu.memory_space<vmem>>, %arg10: memref<10240x128xf32, #tpu.memory_space<vmem_shared>>, %arg11: memref<!tpu.dma_semaphore, #tpu.memory_space<semaphore_mem>>) attributes {dimension_semantics = [#tpu.dimension_semantics<core_parallel>, #tpu.dimension_semantics<subcore_parallel>], iteration_bounds = array<i64: 2, 16>, scalar_prefetch = 0 : i64, scratch_operands = 6 : i64, tpu.core_type = #tpu.core_type<sc_vector_subcore>, window_params = [{transform_indices = #map}, {transform_indices = #map}, {transform_indices = #map}, {transform_indices = #map1}]} {
    %mul3A = arith.constant 16 : i32
    %mul3A_0 = arith.muli %arg0, %mul3A : i32
    %add3A = arith.addi %mul3A_0, %arg1 : i32
    %scan3A = arith.constant 0 : i32
    %scan3A_1 = arith.constant 128 : i32
    %scan3A_2 = arith.addi %scan3A, %scan3A_1 : i32
    %scan3A_3 = arith.constant 1 : i32
    scf.for %scan3A_47 = %scan3A to %scan3A_2 step %scan3A_3  : i32 {
      %broadcast_in_dim3A = arith.constant 0.000000e+00 : f32
      %broadcast_in_dim3A_48 = vector.broadcast %broadcast_in_dim3A : f32 to vector<16xf32>
      %swap3A = arith.index_cast %scan3A_47 : i32 to index
      %swap3A_49 = arith.constant 0 : index
      %swap3A_50 = tpu.vector_load %arg9[%swap3A, %swap3A_49] {strides = array<i32>} : memref<128x128xf32, #tpu.memory_space<vmem>>, vector<1x16xf32>,
      %swap3A_51 = vector.shape_cast %swap3A_50 : vector<1x16xf32> to vector<16xf32>
      %swap3A_52 = vector.shape_cast %broadcast_in_dim3A_48 : vector<16xf32> to vector<1x16xf32>
      tpu.vector_store %arg9[%swap3A, %swap3A_49], %swap3A_52 {strides = array<i32>} : memref<128x128xf32, #tpu.memory_space<vmem>>, vector<1x16xf32>,
      %broadcast_in_dim3A_53 = arith.constant 0.000000e+00 : f32
      %broadcast_in_dim3A_54 = vector.broadcast %broadcast_in_dim3A_53 : f32 to vector<16xf32>
      %swap3A_55 = arith.index_cast %scan3A_47 : i32 to index
      %swap3A_56 = arith.constant 16 : index
      %swap3A_57 = tpu.vector_load %arg9[%swap3A_55, %swap3A_56] {strides = array<i32>} : memref<128x128xf32, #tpu.memory_space<vmem>>, vector<1x16xf32>,
      %swap3A_58 = vector.shape_cast %swap3A_57 : vector<1x16xf32> to vector<16xf32>
      %swap3A_59 = vector.shape_cast %broadcast_in_dim3A_54 : vector<16xf32> to vector<1x16xf32>
      tpu.vector_store %arg9[%swap3A_55, %swap3A_56], %swap3A_59 {strides = array<i32>} : memref<128x128xf32, #tpu.memory_space<vmem>>, vector<1x16xf32>,
      %broadcast_in_dim3A_60 = arith.constant 0.000000e+00 : f32
      %broadcast_in_dim3A_61 = vector.broadcast %broadcast_in_dim3A_60 : f32 to vector<16xf32>
      %swap3A_62 = arith.index_cast %scan3A_47 : i32 to index
      %swap3A_63 = arith.constant 32 : index
      %swap3A_64 = tpu.vector_load %arg9[%swap3A_62, %swap3A_63] {strides = array<i32>} : memref<128x128xf32, #tpu.memory_space<vmem>>, vector<1x16xf32>,
      %swap3A_65 = vector.shape_cast %swap3A_64 : vector<1x16xf32> to vector<16xf32>
      %swap3A_66 = vector.shape_cast %broadcast_in_dim3A_61 : vector<16xf32> to vector<1x16xf32>
      tpu.vector_store %arg9[%swap3A_62, %swap3A_63], %swap3A_66 {strides = array<i32>} : memref<128x128xf32, #tpu.memory_space<vmem>>, vector<1x16xf32>,
      %broadcast_in_dim3A_67 = arith.constant 0.000000e+00 : f32
      %broadcast_in_dim3A_68 = vector.broadcast %broadcast_in_dim3A_67 : f32 to vector<16xf32>
      %swap3A_69 = arith.index_cast %scan3A_47 : i32 to index
      %swap3A_70 = arith.constant 48 : index
      %swap3A_71 = tpu.vector_load %arg9[%swap3A_69, %swap3A_70] {strides = array<i32>} : memref<128x128xf32, #tpu.memory_space<vmem>>, vector<1x16xf32>,
      %swap3A_72 = vector.shape_cast %swap3A_71 : vector<1x16xf32> to vector<16xf32>
      %swap3A_73 = vector.shape_cast %broadcast_in_dim3A_68 : vector<16xf32> to vector<1x16xf32>
      tpu.vector_store %arg9[%swap3A_69, %swap3A_70], %swap3A_73 {strides = array<i32>} : memref<128x128xf32, #tpu.memory_space<vmem>>, vector<1x16xf32>,
      %broadcast_in_dim3A_74 = arith.constant 0.000000e+00 : f32
      %broadcast_in_dim3A_75 = vector.broadcast %broadcast_in_dim3A_74 : f32 to vector<16xf32>
      %swap3A_76 = arith.index_cast %scan3A_47 : i32 to index
      %swap3A_77 = arith.constant 64 : index
      %swap3A_78 = tpu.vector_load %arg9[%swap3A_76, %swap3A_77] {strides = array<i32>} : memref<128x128xf32, #tpu.memory_space<vmem>>, vector<1x16xf32>,
      %swap3A_79 = vector.shape_cast %swap3A_78 : vector<1x16xf32> to vector<16xf32>
      %swap3A_80 = vector.shape_cast %broadcast_in_dim3A_75 : vector<16xf32> to vector<1x16xf32>
      tpu.vector_store %arg9[%swap3A_76, %swap3A_77], %swap3A_80 {strides = array<i32>} : memref<128x128xf32, #tpu.memory_space<vmem>>, vector<1x16xf32>,
      %broadcast_in_dim3A_81 = arith.constant 0.000000e+00 : f32
      %broadcast_in_dim3A_82 = vector.broadcast %broadcast_in_dim3A_81 : f32 to vector<16xf32>
      %swap3A_83 = arith.index_cast %scan3A_47 : i32 to index
      %swap3A_84 = arith.constant 80 : index
      %swap3A_85 = tpu.vector_load %arg9[%swap3A_83, %swap3A_84] {strides = array<i32>} : memref<128x128xf32, #tpu.memory_space<vmem>>, vector<1x16xf32>,
      %swap3A_86 = vector.shape_cast %swap3A_85 : vector<1x16xf32> to vector<16xf32>
      %swap3A_87 = vector.shape_cast %broadcast_in_dim3A_82 : vector<16xf32> to vector<1x16xf32>
      tpu.vector_store %arg9[%swap3A_83, %swap3A_84], %swap3A_87 {strides = array<i32>} : memref<128x128xf32, #tpu.memory_space<vmem>>, vector<1x16xf32>,
      %broadcast_in_dim3A_88 = arith.constant 0.000000e+00 : f32
      %broadcast_in_dim3A_89 = vector.broadcast %broadcast_in_dim3A_88 : f32 to vector<16xf32>
      %swap3A_90 = arith.index_cast %scan3A_47 : i32 to index
      %swap3A_91 = arith.constant 96 : index
      %swap3A_92 = tpu.vector_load %arg9[%swap3A_90, %swap3A_91] {strides = array<i32>} : memref<128x128xf32, #tpu.memory_space<vmem>>, vector<1x16xf32>,
      %swap3A_93 = vector.shape_cast %swap3A_92 : vector<1x16xf32> to vector<16xf32>
      %swap3A_94 = vector.shape_cast %broadcast_in_dim3A_89 : vector<16xf32> to vector<1x16xf32>
      tpu.vector_store %arg9[%swap3A_90, %swap3A_91], %swap3A_94 {strides = array<i32>} : memref<128x128xf32, #tpu.memory_space<vmem>>, vector<1x16xf32>,
      %broadcast_in_dim3A_95 = arith.constant 0.000000e+00 : f32
      %broadcast_in_dim3A_96 = vector.broadcast %broadcast_in_dim3A_95 : f32 to vector<16xf32>
      %swap3A_97 = arith.index_cast %scan3A_47 : i32 to index
      %swap3A_98 = arith.constant 112 : index
      %swap3A_99 = tpu.vector_load %arg9[%swap3A_97, %swap3A_98] {strides = array<i32>} : memref<128x128xf32, #tpu.memory_space<vmem>>, vector<1x16xf32>,
      %swap3A_100 = vector.shape_cast %swap3A_99 : vector<1x16xf32> to vector<16xf32>
      %swap3A_101 = vector.shape_cast %broadcast_in_dim3A_96 : vector<16xf32> to vector<1x16xf32>
      tpu.vector_store %arg9[%swap3A_97, %swap3A_98], %swap3A_101 {strides = array<i32>} : memref<128x128xf32, #tpu.memory_space<vmem>>, vector<1x16xf32>,
    }
    %scan3A_4 = arith.constant 128 : i32
    %mul3A_5 = arith.constant 40 : i32
    %mul3A_6 = arith.muli %add3A, %mul3A_5 : i32
    "tpu.region"() ({
      %run_scoped3A = tpu.sem_alloc : memref<!tpu.dma_semaphore, #tpu.memory_space<semaphore_mem>>
      %dma_start3A = arith.constant 0 : i32
      %dma_start3A_47 = tpu.memref_slice %arg3[%mul3A_6, %dma_start3A] : memref<1280x128xi32, #tpu.memory_space<hbm>> -> memref<40x128xi32, #tpu.memory_space<hbm>>
      %dma_start3A_48 = arith.constant 0 : i32
      %dma_start3A_49 = tpu.memref_slice %arg3[%mul3A_6, %dma_start3A_48] : memref<1280x128xi32, #tpu.memory_space<hbm>> -> memref<40x128xi32, #tpu.memory_space<hbm>>
      tpu.enqueue_dma source(%dma_start3A_49 : memref<40x128xi32, #tpu.memory_space<hbm>>) target(%arg6 : memref<40x128xi32, #tpu.memory_space<vmem>>) target_semaphore(%run_scoped3A : memref<!tpu.dma_semaphore, #tpu.memory_space<semaphore_mem>>)
      %dma_wait3A = arith.constant 0 : i32
      %dma_wait3A_50 = tpu.memref_slice %arg3[%mul3A_6, %dma_wait3A] : memref<1280x128xi32, #tpu.memory_space<hbm>> -> memref<40x128xi32, #tpu.memory_space<hbm>>
      %dma_wait3A_51 = arith.constant 0 : i32
      %dma_wait3A_52 = tpu.memref_slice %arg3[%mul3A_6, %dma_wait3A_51] : memref<1280x128xi32, #tpu.memory_space<hbm>> -> memref<40x128xi32, #tpu.memory_space<hbm>>
      tpu.wait_dma2 semaphore(%run_scoped3A : memref<!tpu.dma_semaphore, #tpu.memory_space<semaphore_mem>>) src(%dma_wait3A_52 : memref<40x128xi32, #tpu.memory_space<hbm>>) dst(%arg6 : memref<40x128xi32, #tpu.memory_space<vmem>>)
      tpu.yield
    }) : () -> ()
    %mul3A_7 = arith.constant 40 : i32
    %mul3A_8 = arith.muli %add3A, %mul3A_7 : i32
    "tpu.region"() ({
      %run_scoped3A = tpu.sem_alloc : memref<!tpu.dma_semaphore, #tpu.memory_space<semaphore_mem>>
      %dma_start3A = arith.constant 0 : i32
      %dma_start3A_47 = tpu.memref_slice %arg4[%mul3A_8, %dma_start3A] : memref<1280x128xi32, #tpu.memory_space<hbm>> -> memref<40x128xi32, #tpu.memory_space<hbm>>
      %dma_start3A_48 = arith.constant 0 : i32
      %dma_start3A_49 = tpu.memref_slice %arg4[%mul3A_8, %dma_start3A_48] : memref<1280x128xi32, #tpu.memory_space<hbm>> -> memref<40x128xi32, #tpu.memory_space<hbm>>
      tpu.enqueue_dma source(%dma_start3A_49 : memref<40x128xi32, #tpu.memory_space<hbm>>) target(%arg7 : memref<40x128xi32, #tpu.memory_space<vmem>>) target_semaphore(%run_scoped3A : memref<!tpu.dma_semaphore, #tpu.memory_space<semaphore_mem>>)
      %dma_wait3A = arith.constant 0 : i32
      %dma_wait3A_50 = tpu.memref_slice %arg4[%mul3A_8, %dma_wait3A] : memref<1280x128xi32, #tpu.memory_space<hbm>> -> memref<40x128xi32, #tpu.memory_space<hbm>>
      %dma_wait3A_51 = arith.constant 0 : i32
      %dma_wait3A_52 = tpu.memref_slice %arg4[%mul3A_8, %dma_wait3A_51] : memref<1280x128xi32, #tpu.memory_space<hbm>> -> memref<40x128xi32, #tpu.memory_space<hbm>>
      tpu.wait_dma2 semaphore(%run_scoped3A : memref<!tpu.dma_semaphore, #tpu.memory_space<semaphore_mem>>) src(%dma_wait3A_52 : memref<40x128xi32, #tpu.memory_space<hbm>>) dst(%arg7 : memref<40x128xi32, #tpu.memory_space<vmem>>)
      tpu.yield
    }) : () -> ()
    %mul3A_9 = arith.constant 5 : i32
    %mul3A_10 = arith.muli %arg1, %mul3A_9 : i32
    %add3A_11 = arith.constant 0 : i32
    %add3A_12 = arith.addi %mul3A_10, %add3A_11 : i32
    %mul3A_13 = arith.constant 128 : i32
    %mul3A_14 = arith.muli %add3A_12, %mul3A_13 : i32
    "tpu.region"() ({
      %run_scoped3A = tpu.sem_alloc : memref<!tpu.dma_semaphore, #tpu.memory_space<semaphore_mem>>
      %dma_start3A = arith.constant 0 : i32
      %dma_start3A_47 = tpu.memref_slice %arg10[%mul3A_14, %dma_start3A] : memref<10240x128xf32, #tpu.memory_space<vmem_shared>> -> memref<128x128xf32, #tpu.memory_space<vmem_shared>>
      %dma_start3A_48 = arith.constant 0 : i32
      %dma_start3A_49 = tpu.memref_slice %arg10[%mul3A_14, %dma_start3A_48] : memref<10240x128xf32, #tpu.memory_space<vmem_shared>> -> memref<128x128xf32, #tpu.memory_space<vmem_shared>>
      tpu.enqueue_dma source(%arg9 : memref<128x128xf32, #tpu.memory_space<vmem>>) target(%dma_start3A_49 : memref<128x128xf32, #tpu.memory_space<vmem_shared>>) target_semaphore(%run_scoped3A : memref<!tpu.dma_semaphore, #tpu.memory_space<semaphore_mem>>)
      %dma_wait3A = arith.constant 0 : i32
      %dma_wait3A_50 = tpu.memref_slice %arg10[%mul3A_14, %dma_wait3A] : memref<10240x128xf32, #tpu.memory_space<vmem_shared>> -> memref<128x128xf32, #tpu.memory_space<vmem_shared>>
      %dma_wait3A_51 = arith.constant 0 : i32
      %dma_wait3A_52 = tpu.memref_slice %arg10[%mul3A_14, %dma_wait3A_51] : memref<10240x128xf32, #tpu.memory_space<vmem_shared>> -> memref<128x128xf32, #tpu.memory_space<vmem_shared>>
      tpu.wait_dma2 semaphore(%run_scoped3A : memref<!tpu.dma_semaphore, #tpu.memory_space<semaphore_mem>>) src(%arg9 : memref<128x128xf32, #tpu.memory_space<vmem>>) dst(%dma_wait3A_52 : memref<128x128xf32, #tpu.memory_space<vmem_shared>>)
      tpu.yield
    }) : () -> ()
    %mul3A_15 = arith.constant 5 : i32
    %mul3A_16 = arith.muli %arg1, %mul3A_15 : i32
    %add3A_17 = arith.constant 1 : i32
    %add3A_18 = arith.addi %mul3A_16, %add3A_17 : i32
    %mul3A_19 = arith.constant 128 : i32
    %mul3A_20 = arith.muli %add3A_18, %mul3A_19 : i32
    "tpu.region"() ({
      %run_scoped3A = tpu.sem_alloc : memref<!tpu.dma_semaphore, #tpu.memory_space<semaphore_mem>>
      %dma_start3A = arith.constant 0 : i32
      %dma_start3A_47 = tpu.memref_slice %arg10[%mul3A_20, %dma_start3A] : memref<10240x128xf32, #tpu.memory_space<vmem_shared>> -> memref<128x128xf32, #tpu.memory_space<vmem_shared>>
      %dma_start3A_48 = arith.constant 0 : i32
      %dma_start3A_49 = tpu.memref_slice %arg10[%mul3A_20, %dma_start3A_48] : memref<10240x128xf32, #tpu.memory_space<vmem_shared>> -> memref<128x128xf32, #tpu.memory_space<vmem_shared>>
      tpu.enqueue_dma source(%arg9 : memref<128x128xf32, #tpu.memory_space<vmem>>) target(%dma_start3A_49 : memref<128x128xf32, #tpu.memory_space<vmem_shared>>) target_semaphore(%run_scoped3A : memref<!tpu.dma_semaphore, #tpu.memory_space<semaphore_mem>>)
      %dma_wait3A = arith.constant 0 : i32
      %dma_wait3A_50 = tpu.memref_slice %arg10[%mul3A_20, %dma_wait3A] : memref<10240x128xf32, #tpu.memory_space<vmem_shared>> -> memref<128x128xf32, #tpu.memory_space<vmem_shared>>
      %dma_wait3A_51 = arith.constant 0 : i32
      %dma_wait3A_52 = tpu.memref_slice %arg10[%mul3A_20, %dma_wait3A_51] : memref<10240x128xf32, #tpu.memory_space<vmem_shared>> -> memref<128x128xf32, #tpu.memory_space<vmem_shared>>
      tpu.wait_dma2 semaphore(%run_scoped3A : memref<!tpu.dma_semaphore, #tpu.memory_space<semaphore_mem>>) src(%arg9 : memref<128x128xf32, #tpu.memory_space<vmem>>) dst(%dma_wait3A_52 : memref<128x128xf32, #tpu.memory_space<vmem_shared>>)
      tpu.yield
    }) : () -> ()
    %mul3A_21 = arith.constant 5 : i32
    %mul3A_22 = arith.muli %arg1, %mul3A_21 : i32
    %add3A_23 = arith.constant 2 : i32
    %add3A_24 = arith.addi %mul3A_22, %add3A_23 : i32
    %mul3A_25 = arith.constant 128 : i32
    %mul3A_26 = arith.muli %add3A_24, %mul3A_25 : i32
    "tpu.region"() ({
      %run_scoped3A = tpu.sem_alloc : memref<!tpu.dma_semaphore, #tpu.memory_space<semaphore_mem>>
      %dma_start3A = arith.constant 0 : i32
      %dma_start3A_47 = tpu.memref_slice %arg10[%mul3A_26, %dma_start3A] : memref<10240x128xf32, #tpu.memory_space<vmem_shared>> -> memref<128x128xf32, #tpu.memory_space<vmem_shared>>
      %dma_start3A_48 = arith.constant 0 : i32
      %dma_start3A_49 = tpu.memref_slice %arg10[%mul3A_26, %dma_start3A_48] : memref<10240x128xf32, #tpu.memory_space<vmem_shared>> -> memref<128x128xf32, #tpu.memory_space<vmem_shared>>
      tpu.enqueue_dma source(%arg9 : memref<128x128xf32, #tpu.memory_space<vmem>>) target(%dma_start3A_49 : memref<128x128xf32, #tpu.memory_space<vmem_shared>>) target_semaphore(%run_scoped3A : memref<!tpu.dma_semaphore, #tpu.memory_space<semaphore_mem>>)
      %dma_wait3A = arith.constant 0 : i32
      %dma_wait3A_50 = tpu.memref_slice %arg10[%mul3A_26, %dma_wait3A] : memref<10240x128xf32, #tpu.memory_space<vmem_shared>> -> memref<128x128xf32, #tpu.memory_space<vmem_shared>>
      %dma_wait3A_51 = arith.constant 0 : i32
      %dma_wait3A_52 = tpu.memref_slice %arg10[%mul3A_26, %dma_wait3A_51] : memref<10240x128xf32, #tpu.memory_space<vmem_shared>> -> memref<128x128xf32, #tpu.memory_space<vmem_shared>>
      tpu.wait_dma2 semaphore(%run_scoped3A : memref<!tpu.dma_semaphore, #tpu.memory_space<semaphore_mem>>) src(%arg9 : memref<128x128xf32, #tpu.memory_space<vmem>>) dst(%dma_wait3A_52 : memref<128x128xf32, #tpu.memory_space<vmem_shared>>)
      tpu.yield
    }) : () -> ()
    %mul3A_27 = arith.constant 5 : i32
    %mul3A_28 = arith.muli %arg1, %mul3A_27 : i32
    %add3A_29 = arith.constant 3 : i32
    %add3A_30 = arith.addi %mul3A_28, %add3A_29 : i32
    %mul3A_31 = arith.constant 128 : i32
    %mul3A_32 = arith.muli %add3A_30, %mul3A_31 : i32
    "tpu.region"() ({
      %run_scoped3A = tpu.sem_alloc : memref<!tpu.dma_semaphore, #tpu.memory_space<semaphore_mem>>
      %dma_start3A = arith.constant 0 : i32
      %dma_start3A_47 = tpu.memref_slice %arg10[%mul3A_32, %dma_start3A] : memref<10240x128xf32, #tpu.memory_space<vmem_shared>> -> memref<128x128xf32, #tpu.memory_space<vmem_shared>>
      %dma_start3A_48 = arith.constant 0 : i32
      %dma_start3A_49 = tpu.memref_slice %arg10[%mul3A_32, %dma_start3A_48] : memref<10240x128xf32, #tpu.memory_space<vmem_shared>> -> memref<128x128xf32, #tpu.memory_space<vmem_shared>>
      tpu.enqueue_dma source(%arg9 : memref<128x128xf32, #tpu.memory_space<vmem>>) target(%dma_start3A_49 : memref<128x128xf32, #tpu.memory_space<vmem_shared>>) target_semaphore(%run_scoped3A : memref<!tpu.dma_semaphore, #tpu.memory_space<semaphore_mem>>)
      %dma_wait3A = arith.constant 0 : i32
      %dma_wait3A_50 = tpu.memref_slice %arg10[%mul3A_32, %dma_wait3A] : memref<10240x128xf32, #tpu.memory_space<vmem_shared>> -> memref<128x128xf32, #tpu.memory_space<vmem_shared>>
      %dma_wait3A_51 = arith.constant 0 : i32
      %dma_wait3A_52 = tpu.memref_slice %arg10[%mul3A_32, %dma_wait3A_51] : memref<10240x128xf32, #tpu.memory_space<vmem_shared>> -> memref<128x128xf32, #tpu.memory_space<vmem_shared>>
      tpu.wait_dma2 semaphore(%run_scoped3A : memref<!tpu.dma_semaphore, #tpu.memory_space<semaphore_mem>>) src(%arg9 : memref<128x128xf32, #tpu.memory_space<vmem>>) dst(%dma_wait3A_52 : memref<128x128xf32, #tpu.memory_space<vmem_shared>>)
      tpu.yield
    }) : () -> ()
    %mul3A_33 = arith.constant 5 : i32
    %mul3A_34 = arith.muli %arg1, %mul3A_33 : i32
    %add3A_35 = arith.constant 4 : i32
    %add3A_36 = arith.addi %mul3A_34, %add3A_35 : i32
    %mul3A_37 = arith.constant 128 : i32
    %mul3A_38 = arith.muli %add3A_36, %mul3A_37 : i32
    "tpu.region"() ({
      %run_scoped3A = tpu.sem_alloc : memref<!tpu.dma_semaphore, #tpu.memory_space<semaphore_mem>>
      %dma_start3A = arith.constant 0 : i32
      %dma_start3A_47 = tpu.memref_slice %arg10[%mul3A_38, %dma_start3A] : memref<10240x128xf32, #tpu.memory_space<vmem_shared>> -> memref<128x128xf32, #tpu.memory_space<vmem_shared>>
      %dma_start3A_48 = arith.constant 0 : i32
      %dma_start3A_49 = tpu.memref_slice %arg10[%mul3A_38, %dma_start3A_48] : memref<10240x128xf32, #tpu.memory_space<vmem_shared>> -> memref<128x128xf32, #tpu.memory_space<vmem_shared>>
      tpu.enqueue_dma source(%arg9 : memref<128x128xf32, #tpu.memory_space<vmem>>) target(%dma_start3A_49 : memref<128x128xf32, #tpu.memory_space<vmem_shared>>) target_semaphore(%run_scoped3A : memref<!tpu.dma_semaphore, #tpu.memory_space<semaphore_mem>>)
      %dma_wait3A = arith.constant 0 : i32
      %dma_wait3A_50 = tpu.memref_slice %arg10[%mul3A_38, %dma_wait3A] : memref<10240x128xf32, #tpu.memory_space<vmem_shared>> -> memref<128x128xf32, #tpu.memory_space<vmem_shared>>
      %dma_wait3A_51 = arith.constant 0 : i32
      %dma_wait3A_52 = tpu.memref_slice %arg10[%mul3A_38, %dma_wait3A_51] : memref<10240x128xf32, #tpu.memory_space<vmem_shared>> -> memref<128x128xf32, #tpu.memory_space<vmem_shared>>
      tpu.wait_dma2 semaphore(%run_scoped3A : memref<!tpu.dma_semaphore, #tpu.memory_space<semaphore_mem>>) src(%arg9 : memref<128x128xf32, #tpu.memory_space<vmem>>) dst(%dma_wait3A_52 : memref<128x128xf32, #tpu.memory_space<vmem_shared>>)
      tpu.yield
    }) : () -> ()
    %barrier3A = arith.constant 0 : index
    tpu.barrier barrier_id(%barrier3A)
    %scan3A_39 = arith.constant 0 : i32
    %scan3A_40 = arith.constant 40 : i32
    %scan3A_41 = arith.addi %scan3A_39, %scan3A_40 : i32
    %scan3A_42 = arith.constant 1 : i32
    scf.for %scan3A_47 = %scan3A_39 to %scan3A_41 step %scan3A_42  : i32 {
      %dma_start3A = arith.constant 0 : i32
      %dma_start3A_48 = tpu.memref_slice %arg6[%scan3A_47, %dma_start3A] : memref<40x128xi32, #tpu.memory_space<vmem>> -> memref<1x128xi32, #tpu.memory_space<vmem>>
      %dma_start3A_49 = tpu.memref_squeeze %dma_start3A_48 : memref<1x128xi32, #tpu.memory_space<vmem>> -> memref<128xi32, #tpu.memory_space<vmem>>
      %dma_start3A_50 = arith.constant 0 : i32
      %dma_start3A_51 = arith.constant 0 : i32
      %dma_start3A_52 = tpu.memref_slice %arg2[%dma_start3A_50, %dma_start3A_51] : memref<10240x128xf32, #tpu.memory_space<hbm>> -> memref<10240x128xf32, #tpu.memory_space<hbm>>
      tpu.enqueue_indirect_dma source(%dma_start3A_52 : memref<10240x128xf32, #tpu.memory_space<hbm>>) target(%arg8 : memref<128x128xf32, #tpu.memory_space<vmem>>) offsets(%dma_start3A_49 : memref<128xi32, #tpu.memory_space<vmem>>) semaphore(%arg11 : memref<!tpu.dma_semaphore, #tpu.memory_space<semaphore_mem>>)
      %dma_wait3A = arith.constant 0 : i32
      %dma_wait3A_53 = tpu.memref_slice %arg6[%scan3A_47, %dma_wait3A] : memref<40x128xi32, #tpu.memory_space<vmem>> -> memref<1x128xi32, #tpu.memory_space<vmem>>
      %dma_wait3A_54 = tpu.memref_squeeze %dma_wait3A_53 : memref<1x128xi32, #tpu.memory_space<vmem>> -> memref<128xi32, #tpu.memory_space<vmem>>
      %dma_wait3A_55 = arith.constant 0 : i32
      %dma_wait3A_56 = arith.constant 0 : i32
      %dma_wait3A_57 = tpu.memref_slice %arg2[%dma_wait3A_55, %dma_wait3A_56] : memref<10240x128xf32, #tpu.memory_space<hbm>> -> memref<10240x128xf32, #tpu.memory_space<hbm>>
      tpu.wait_indirect_dma semaphore(%arg11 : memref<!tpu.dma_semaphore, #tpu.memory_space<semaphore_mem>>) src(%dma_wait3A_57 : memref<10240x128xf32, #tpu.memory_space<hbm>>) dst(%arg8 : memref<128x128xf32, #tpu.memory_space<vmem>>)
      "tpu.region"() ({
        %run_scoped3A = tpu.sem_alloc : memref<!tpu.dma_semaphore, #tpu.memory_space<semaphore_mem>>
        %dma_start3A_58 = arith.constant 0 : i32
        %dma_start3A_59 = tpu.memref_slice %arg7[%scan3A_47, %dma_start3A_58] : memref<40x128xi32, #tpu.memory_space<vmem>> -> memref<1x128xi32, #tpu.memory_space<vmem>>
        %dma_start3A_60 = tpu.memref_squeeze %dma_start3A_59 : memref<1x128xi32, #tpu.memory_space<vmem>> -> memref<128xi32, #tpu.memory_space<vmem>>
        %dma_start3A_61 = arith.constant 0 : i32
        %dma_start3A_62 = arith.constant 0 : i32
        %dma_start3A_63 = tpu.memref_slice %arg10[%dma_start3A_61, %dma_start3A_62] : memref<10240x128xf32, #tpu.memory_space<vmem_shared>> -> memref<10240x128xf32, #tpu.memory_space<vmem_shared>>
        tpu.enqueue_indirect_dma source(%arg8 : memref<128x128xf32, #tpu.memory_space<vmem>>) target(%dma_start3A_63 : memref<10240x128xf32, #tpu.memory_space<vmem_shared>>) offsets(%dma_start3A_60 : memref<128xi32, #tpu.memory_space<vmem>>) semaphore(%run_scoped3A : memref<!tpu.dma_semaphore, #tpu.memory_space<semaphore_mem>>) {add = true}
        %dma_wait3A_64 = arith.constant 0 : i32
        %dma_wait3A_65 = tpu.memref_slice %arg7[%scan3A_47, %dma_wait3A_64] : memref<40x128xi32, #tpu.memory_space<vmem>> -> memref<1x128xi32, #tpu.memory_space<vmem>>
        %dma_wait3A_66 = tpu.memref_squeeze %dma_wait3A_65 : memref<1x128xi32, #tpu.memory_space<vmem>> -> memref<128xi32, #tpu.memory_space<vmem>>
        %dma_wait3A_67 = arith.constant 0 : i32
        %dma_wait3A_68 = arith.constant 0 : i32
        %dma_wait3A_69 = tpu.memref_slice %arg10[%dma_wait3A_67, %dma_wait3A_68] : memref<10240x128xf32, #tpu.memory_space<vmem_shared>> -> memref<10240x128xf32, #tpu.memory_space<vmem_shared>>
        tpu.wait_indirect_dma semaphore(%run_scoped3A : memref<!tpu.dma_semaphore, #tpu.memory_space<semaphore_mem>>) src(%arg8 : memref<128x128xf32, #tpu.memory_space<vmem>>) dst(%dma_wait3A_69 : memref<10240x128xf32, #tpu.memory_space<vmem_shared>>)
        tpu.yield
      }) : () -> ()
    }
    %scan3A_43 = arith.constant 40 : i32
    %barrier3A_44 = arith.constant 0 : index
    tpu.barrier barrier_id(%barrier3A_44)
    %lt3A = arith.constant 10 : i32
    %lt3A_45 = arith.cmpi slt, %arg1, %lt3A : i32
    %convert_element_type3A = arith.extui %lt3A_45 : i1 to i32
    %cond3A = arith.constant 0 : i32
    %cond3A_46 = arith.cmpi ne, %convert_element_type3A, %cond3A : i32
    scf.if %cond3A_46 {
      %mul3A_47 = arith.constant 1000 : i32
      %mul3A_48 = arith.muli %arg1, %mul3A_47 : i32
      %mul3A_49 = arith.constant 1000 : i32
      %mul3A_50 = arith.muli %arg1, %mul3A_49 : i32
      "tpu.region"() ({
        %run_scoped3A = tpu.sem_alloc : memref<!tpu.dma_semaphore, #tpu.memory_space<semaphore_mem>>
        %dma_start3A = arith.constant 0 : i32
        %dma_start3A_51 = tpu.memref_slice %arg5[%arg0, %mul3A_50, %dma_start3A] : memref<2x10000x128xf32, #tpu.memory_space<hbm>> -> memref<1x1000x128xf32, #tpu.memory_space<hbm>>
        %dma_start3A_52 = tpu.memref_squeeze %dma_start3A_51 : memref<1x1000x128xf32, #tpu.memory_space<hbm>> -> memref<1000x128xf32, #tpu.memory_space<hbm>>
        %dma_start3A_53 = arith.constant 0 : i32
        %dma_start3A_54 = tpu.memref_slice %arg10[%mul3A_48, %dma_start3A_53] : memref<10240x128xf32, #tpu.memory_space<vmem_shared>> -> memref<1000x128xf32, #tpu.memory_space<vmem_shared>>
        tpu.enqueue_dma source(%dma_start3A_54 : memref<1000x128xf32, #tpu.memory_space<vmem_shared>>) target(%dma_start3A_52 : memref<1000x128xf32, #tpu.memory_space<hbm>>) target_semaphore(%run_scoped3A : memref<!tpu.dma_semaphore, #tpu.memory_space<semaphore_mem>>)
        %dma_wait3A = arith.constant 0 : i32
        %dma_wait3A_55 = tpu.memref_slice %arg5[%arg0, %mul3A_50, %dma_wait3A] : memref<2x10000x128xf32, #tpu.memory_space<hbm>> -> memref<1x1000x128xf32, #tpu.memory_space<hbm>>
        %dma_wait3A_56 = tpu.memref_squeeze %dma_wait3A_55 : memref<1x1000x128xf32, #tpu.memory_space<hbm>> -> memref<1000x128xf32, #tpu.memory_space<hbm>>
        %dma_wait3A_57 = arith.constant 0 : i32
        %dma_wait3A_58 = tpu.memref_slice %arg10[%mul3A_48, %dma_wait3A_57] : memref<10240x128xf32, #tpu.memory_space<vmem_shared>> -> memref<1000x128xf32, #tpu.memory_space<vmem_shared>>
        tpu.wait_dma2 semaphore(%run_scoped3A : memref<!tpu.dma_semaphore, #tpu.memory_space<semaphore_mem>>) src(%dma_wait3A_58 : memref<1000x128xf32, #tpu.memory_space<vmem_shared>>) dst(%dma_wait3A_56 : memref<1000x128xf32, #tpu.memory_space<hbm>>)
        tpu.yield
      }) : () -> ()
    } else {
    }
    return
  }
}

module attributes {stable_mosaic.version = 14 : i64} {
  func.func @_tc_m_body(%arg0: i32, %arg1: memref<2000x256xf32, #tpu.memory_space<vmem>>, %arg2: memref<256x128xf32, #tpu.memory_space<vmem>>, %arg3: memref<2000x128xf32, #tpu.memory_space<vmem>>) attributes {dimension_semantics = [#tpu.dimension_semantics<arbitrary>], iteration_bounds = array<i64: 5>, scalar_prefetch = 0 : i64, scratch_operands = 0 : i64, tpu.core_type = #tpu.core_type<tc>, window_params = [{transform_indices = @transform_0, window_bounds = array<i64: 2000, 256>}, {pipeline_mode = #tpu.pipeline_mode<synchronous>, transform_indices = @transform_1, window_bounds = array<i64: 256, 128>}, {transform_indices = @transform_2, window_bounds = array<i64: 2000, 128>}]} {
    %get3A = arith.constant 0 : index
    %get3A_0 = arith.constant 0 : index
    %get3A_1 = vector.load %arg1[%get3A, %get3A_0] : memref<2000x256xf32, #tpu.memory_space<vmem>>, vector<2000x256xf32>
    %get3A_2 = arith.constant 0 : index
    %get3A_3 = arith.constant 0 : index
    %get3A_4 = vector.load %arg2[%get3A_2, %get3A_3] : memref<256x128xf32, #tpu.memory_space<vmem>>, vector<256x128xf32>
    %dot_general3A = arith.constant dense<0.000000e+00> : vector<2000x128xf32>
    %dot_general3A_5 = tpu.matmul %get3A_1, %get3A_4, %dot_general3A {dimension_numbers = #tpu.dot_dimension_numbers<[1], [0], [0], [1], [0, 0, 1, 1], [], []>, transpose_lhs_hint = false} : vector<2000x256xf32>, vector<256x128xf32>, vector<2000x128xf32> -> vector<2000x128xf32>
    %swap3A = arith.constant 0 : index
    %swap3A_6 = arith.constant 0 : index
    %swap3A_7 = vector.load %arg3[%swap3A, %swap3A_6] : memref<2000x128xf32, #tpu.memory_space<vmem>>, vector<2000x128xf32>
    tpu.vector_store %arg3[%swap3A, %swap3A_6], %dot_general3A_5 {strides = array<i32>} : memref<2000x128xf32, #tpu.memory_space<vmem>>, vector<2000x128xf32>,
    return
  }
  func.func @transform_0(%arg0: i32) -> (i32, i32) {
    %c0_i32 = arith.constant 0 : i32
    %c0_i32_0 = arith.constant 0 : i32
    return %arg0, %c0_i32 : i32, i32
  }
  func.func @transform_1(%arg0: i32) -> (i32, i32) {
    %c0_i32 = arith.constant 0 : i32
    %c0_i32_0 = arith.constant 0 : i32
    %c0_i32_1 = arith.constant 0 : i32
    return %c0_i32, %c0_i32_0 : i32, i32
  }
  func.func @transform_2(%arg0: i32) -> (i32, i32) {
    %c0_i32 = arith.constant 0 : i32
    %c0_i32_0 = arith.constant 0 : i32
    return %arg0, %c0_i32 : i32, i32
  }
}

module attributes {stable_mosaic.version = 14 : i64} {
  func.func @_tc_a_body(%arg0: i32, %arg1: memref<2000x16xf32, #tpu.memory_space<vmem>>, %arg2: memref<2000x16xf32, #tpu.memory_space<vmem>>, %arg3: memref<2000x128xf32, #tpu.memory_space<vmem>>, %arg4: memref<2000x1xf32, #tpu.memory_space<vmem>>, %arg5: memref<2000x128xf32, #tpu.memory_space<vmem>>) attributes {dimension_semantics = [#tpu.dimension_semantics<arbitrary>], iteration_bounds = array<i64: 5>, scalar_prefetch = 0 : i64, scratch_operands = 0 : i64, tpu.core_type = #tpu.core_type<tc>, window_params = [{transform_indices = @transform_0, window_bounds = array<i64: 2000, 16>}, {transform_indices = @transform_1, window_bounds = array<i64: 2000, 16>}, {transform_indices = @transform_2, window_bounds = array<i64: 2000, 128>}, {transform_indices = @transform_3, window_bounds = array<i64: 2000, 1>}, {transform_indices = @transform_4, window_bounds = array<i64: 2000, 128>}]} {
    %get3A = arith.constant 0 : index
    %get3A_0 = arith.constant 0 : index
    %get3A_1 = vector.load %arg1[%get3A, %get3A_0] : memref<2000x16xf32, #tpu.memory_space<vmem>>, vector<2000x1xf32>
    %get3A_2 = arith.constant 0 : index
    %get3A_3 = arith.constant 0 : index
    %get3A_4 = vector.load %arg2[%get3A_2, %get3A_3] : memref<2000x16xf32, #tpu.memory_space<vmem>>, vector<2000x1xf32>
    %add3A = arith.addf %get3A_1, %get3A_4 : vector<2000x1xf32>
    %add3A_5 = arith.constant 1.000000e+00 : f32
    %add3A_6 = vector.broadcast %add3A_5 : f32 to vector<2000x1xf32>
    %add3A_7 = arith.addf %add3A, %add3A_6 : vector<2000x1xf32>
    %rsqrt3A = math.rsqrt %add3A_7 : vector<2000x1xf32>
    %swap3A = arith.constant 0 : index
    %swap3A_8 = arith.constant 0 : index
    %swap3A_9 = vector.load %arg4[%swap3A, %swap3A_8] : memref<2000x1xf32, #tpu.memory_space<vmem>>, vector<2000x1xf32>
    tpu.vector_store %arg4[%swap3A, %swap3A_8], %rsqrt3A {strides = array<i32>} : memref<2000x1xf32, #tpu.memory_space<vmem>>, vector<2000x1xf32>,
    %get3A_10 = arith.constant 0 : index
    %get3A_11 = arith.constant 0 : index
    %get3A_12 = vector.load %arg3[%get3A_10, %get3A_11] : memref<2000x128xf32, #tpu.memory_space<vmem>>, vector<2000x128xf32>
    %mul3A = vector.broadcast %rsqrt3A : vector<2000x1xf32> to vector<2000x128xf32>
    %mul3A_13 = arith.mulf %get3A_12, %mul3A : vector<2000x128xf32>
    %swap3A_14 = arith.constant 0 : index
    %swap3A_15 = arith.constant 0 : index
    %swap3A_16 = vector.load %arg5[%swap3A_14, %swap3A_15] : memref<2000x128xf32, #tpu.memory_space<vmem>>, vector<2000x128xf32>
    tpu.vector_store %arg5[%swap3A_14, %swap3A_15], %mul3A_13 {strides = array<i32>} : memref<2000x128xf32, #tpu.memory_space<vmem>>, vector<2000x128xf32>,
    return
  }
  func.func @transform_0(%arg0: i32) -> (i32, i32) {
    %c0_i32 = arith.constant 0 : i32
    %c0_i32_0 = arith.constant 0 : i32
    return %arg0, %c0_i32 : i32, i32
  }
  func.func @transform_1(%arg0: i32) -> (i32, i32) {
    %c0_i32 = arith.constant 0 : i32
    %c0_i32_0 = arith.constant 0 : i32
    return %arg0, %c0_i32 : i32, i32
  }
  func.func @transform_2(%arg0: i32) -> (i32, i32) {
    %c0_i32 = arith.constant 0 : i32
    %c0_i32_0 = arith.constant 0 : i32
    return %arg0, %c0_i32 : i32, i32
  }
  func.func @transform_3(%arg0: i32) -> (i32, i32) {
    %c0_i32 = arith.constant 0 : i32
    %c0_i32_0 = arith.constant 0 : i32
    return %arg0, %c0_i32 : i32, i32
  }
  func.func @transform_4(%arg0: i32) -> (i32, i32) {
    %c0_i32 = arith.constant 0 : i32
    %c0_i32_0 = arith.constant 0 : i32
    return %arg0, %c0_i32 : i32, i32
  }
}

module attributes {stable_mosaic.version = 14 : i64} {
  func.func @_tc_b_body(%arg0: i32, %arg1: memref<2000x128xf32, #tpu.memory_space<vmem>>, %arg2: memref<2000x128xf32, #tpu.memory_space<vmem>>, %arg3: memref<2000x128xf32, #tpu.memory_space<vmem>>, %arg4: memref<2000x1xf32, #tpu.memory_space<vmem>>, %arg5: memref<1x128xf32, #tpu.memory_space<vmem>>, %arg6: memref<128x128xf32, #tpu.memory_space<vmem>>, %arg7: memref<2000x128xf32, #tpu.memory_space<vmem>>) attributes {dimension_semantics = [#tpu.dimension_semantics<arbitrary>], iteration_bounds = array<i64: 5>, scalar_prefetch = 0 : i64, scratch_operands = 0 : i64, tpu.core_type = #tpu.core_type<tc>, window_params = [{transform_indices = @transform_0, window_bounds = array<i64: 2000, 128>}, {transform_indices = @transform_1, window_bounds = array<i64: 2000, 128>}, {transform_indices = @transform_2, window_bounds = array<i64: 2000, 128>}, {transform_indices = @transform_3, window_bounds = array<i64: 2000, 1>}, {pipeline_mode = #tpu.pipeline_mode<synchronous>, transform_indices = @transform_4, window_bounds = array<i64: 1, 128>}, {pipeline_mode = #tpu.pipeline_mode<synchronous>, transform_indices = @transform_5, window_bounds = array<i64: 128, 128>}, {transform_indices = @transform_6, window_bounds = array<i64: 2000, 128>}]} {
    %get3A = arith.constant 0 : index
    %get3A_0 = arith.constant 0 : index
    %get3A_1 = vector.load %arg4[%get3A, %get3A_0] : memref<2000x1xf32, #tpu.memory_space<vmem>>, vector<2000x1xf32>
    %get3A_2 = arith.constant 0 : index
    %get3A_3 = arith.constant 0 : index
    %get3A_4 = vector.load %arg1[%get3A_2, %get3A_3] : memref<2000x128xf32, #tpu.memory_space<vmem>>, vector<2000x128xf32>
    %get3A_5 = arith.constant 0 : index
    %get3A_6 = arith.constant 0 : index
    %get3A_7 = vector.load %arg2[%get3A_5, %get3A_6] : memref<2000x128xf32, #tpu.memory_space<vmem>>, vector<2000x128xf32>
    %add3A = arith.addf %get3A_4, %get3A_7 : vector<2000x128xf32>
    %get3A_8 = arith.constant 0 : index
    %get3A_9 = arith.constant 0 : index
    %get3A_10 = vector.load %arg3[%get3A_8, %get3A_9] : memref<2000x128xf32, #tpu.memory_space<vmem>>, vector<2000x128xf32>
    %add3A_11 = arith.addf %add3A, %get3A_10 : vector<2000x128xf32>
    %mul3A = vector.broadcast %get3A_1 : vector<2000x1xf32> to vector<2000x128xf32>
    %mul3A_12 = arith.mulf %add3A_11, %mul3A : vector<2000x128xf32>
    %get3A_13 = arith.constant 0 : index
    %get3A_14 = arith.constant 0 : index
    %get3A_15 = vector.load %arg5[%get3A_13, %get3A_14] : memref<1x128xf32, #tpu.memory_space<vmem>>, vector<1x128xf32>
    %add3A_16 = vector.broadcast %get3A_15 : vector<1x128xf32> to vector<2000x128xf32>
    %add3A_17 = arith.addf %mul3A_12, %add3A_16 : vector<2000x128xf32>
    %max3A = arith.constant 0.000000e+00 : f32
    %max3A_18 = vector.broadcast %max3A : f32 to vector<2000x128xf32>
    %max3A_19 = arith.maximumf %add3A_17, %max3A_18 : vector<2000x128xf32>
    %get3A_20 = arith.constant 0 : index
    %get3A_21 = arith.constant 0 : index
    %get3A_22 = vector.load %arg6[%get3A_20, %get3A_21] : memref<128x128xf32, #tpu.memory_space<vmem>>, vector<128x128xf32>
    %dot_general3A = arith.constant dense<0.000000e+00> : vector<2000x128xf32>
    %dot_general3A_23 = tpu.matmul %max3A_19, %get3A_22, %dot_general3A {dimension_numbers = #tpu.dot_dimension_numbers<[1], [0], [0], [1], [0, 0, 1, 1], [], []>, transpose_lhs_hint = false} : vector<2000x128xf32>, vector<128x128xf32>, vector<2000x128xf32> -> vector<2000x128xf32>
    %mul3A_24 = vector.broadcast %get3A_1 : vector<2000x1xf32> to vector<2000x128xf32>
    %mul3A_25 = arith.mulf %dot_general3A_23, %mul3A_24 : vector<2000x128xf32>
    %swap3A = arith.constant 0 : index
    %swap3A_26 = arith.constant 0 : index
    %swap3A_27 = vector.load %arg7[%swap3A, %swap3A_26] : memref<2000x128xf32, #tpu.memory_space<vmem>>, vector<2000x128xf32>
    tpu.vector_store %arg7[%swap3A, %swap3A_26], %mul3A_25 {strides = array<i32>} : memref<2000x128xf32, #tpu.memory_space<vmem>>, vector<2000x128xf32>,
    return
  }
  func.func @transform_0(%arg0: i32) -> (i32, i32) {
    %c0_i32 = arith.constant 0 : i32
    %c0_i32_0 = arith.constant 0 : i32
    return %arg0, %c0_i32 : i32, i32
  }
  func.func @transform_1(%arg0: i32) -> (i32, i32) {
    %c0_i32 = arith.constant 0 : i32
    %c0_i32_0 = arith.constant 0 : i32
    return %arg0, %c0_i32 : i32, i32
  }
  func.func @transform_2(%arg0: i32) -> (i32, i32) {
    %c0_i32 = arith.constant 0 : i32
    %c0_i32_0 = arith.constant 0 : i32
    return %arg0, %c0_i32 : i32, i32
  }
  func.func @transform_3(%arg0: i32) -> (i32, i32) {
    %c0_i32 = arith.constant 0 : i32
    %c0_i32_0 = arith.constant 0 : i32
    return %arg0, %c0_i32 : i32, i32
  }
  func.func @transform_4(%arg0: i32) -> (i32, i32) {
    %c0_i32 = arith.constant 0 : i32
    %c0_i32_0 = arith.constant 0 : i32
    %c0_i32_1 = arith.constant 0 : i32
    return %c0_i32, %c0_i32_0 : i32, i32
  }
  func.func @transform_5(%arg0: i32) -> (i32, i32) {
    %c0_i32 = arith.constant 0 : i32
    %c0_i32_0 = arith.constant 0 : i32
    %c0_i32_1 = arith.constant 0 : i32
    return %c0_i32, %c0_i32_0 : i32, i32
  }
  func.func @transform_6(%arg0: i32) -> (i32, i32) {
    %c0_i32 = arith.constant 0 : i32
    %c0_i32_0 = arith.constant 0 : i32
    return %arg0, %c0_i32 : i32, i32
  }
}

module attributes {stable_mosaic.version = 14 : i64} {
  func.func @_tc_c1_body(%arg0: i32, %arg1: memref<2000x128xf32, #tpu.memory_space<vmem>>, %arg2: memref<2000x128xf32, #tpu.memory_space<vmem>>, %arg3: memref<2000x128xf32, #tpu.memory_space<vmem>>, %arg4: memref<2000x1xf32, #tpu.memory_space<vmem>>, %arg5: memref<1x128xf32, #tpu.memory_space<vmem>>, %arg6: memref<128x200xf32, #tpu.memory_space<vmem>>, %arg7: memref<1x200xf32, #tpu.memory_space<vmem>>, %arg8: memref<2000x200xf32, #tpu.memory_space<vmem>>, %arg9: memref<1x1x200xf32, #tpu.memory_space<vmem>>, %arg10: memref<1x1x200xf32, #tpu.memory_space<vmem>>) attributes {dimension_semantics = [#tpu.dimension_semantics<arbitrary>], iteration_bounds = array<i64: 5>, scalar_prefetch = 0 : i64, scratch_operands = 0 : i64, tpu.core_type = #tpu.core_type<tc>, window_params = [{transform_indices = @transform_0, window_bounds = array<i64: 2000, 128>}, {transform_indices = @transform_1, window_bounds = array<i64: 2000, 128>}, {transform_indices = @transform_2, window_bounds = array<i64: 2000, 128>}, {transform_indices = @transform_3, window_bounds = array<i64: 2000, 1>}, {pipeline_mode = #tpu.pipeline_mode<synchronous>, transform_indices = @transform_4, window_bounds = array<i64: 1, 128>}, {pipeline_mode = #tpu.pipeline_mode<synchronous>, transform_indices = @transform_5, window_bounds = array<i64: 128, 200>}, {pipeline_mode = #tpu.pipeline_mode<synchronous>, transform_indices = @transform_6, window_bounds = array<i64: 1, 200>}, {transform_indices = @transform_7, window_bounds = array<i64: 2000, 200>}, {transform_indices = @transform_8, window_bounds = array<i64: 1, 1, 200>}, {transform_indices = @transform_9, window_bounds = array<i64: 1, 1, 200>}]} {
    %get3A = arith.constant 0 : index
    %get3A_0 = arith.constant 0 : index
    %get3A_1 = vector.load %arg1[%get3A, %get3A_0] : memref<2000x128xf32, #tpu.memory_space<vmem>>, vector<2000x128xf32>
    %get3A_2 = arith.constant 0 : index
    %get3A_3 = arith.constant 0 : index
    %get3A_4 = vector.load %arg2[%get3A_2, %get3A_3] : memref<2000x128xf32, #tpu.memory_space<vmem>>, vector<2000x128xf32>
    %add3A = arith.addf %get3A_1, %get3A_4 : vector<2000x128xf32>
    %get3A_5 = arith.constant 0 : index
    %get3A_6 = arith.constant 0 : index
    %get3A_7 = vector.load %arg3[%get3A_5, %get3A_6] : memref<2000x128xf32, #tpu.memory_space<vmem>>, vector<2000x128xf32>
    %add3A_8 = arith.addf %add3A, %get3A_7 : vector<2000x128xf32>
    %get3A_9 = arith.constant 0 : index
    %get3A_10 = arith.constant 0 : index
    %get3A_11 = vector.load %arg4[%get3A_9, %get3A_10] : memref<2000x1xf32, #tpu.memory_space<vmem>>, vector<2000x1xf32>
    %mul3A = vector.broadcast %get3A_11 : vector<2000x1xf32> to vector<2000x128xf32>
    %mul3A_12 = arith.mulf %add3A_8, %mul3A : vector<2000x128xf32>
    %get3A_13 = arith.constant 0 : index
    %get3A_14 = arith.constant 0 : index
    %get3A_15 = vector.load %arg5[%get3A_13, %get3A_14] : memref<1x128xf32, #tpu.memory_space<vmem>>, vector<1x128xf32>
    %add3A_16 = vector.broadcast %get3A_15 : vector<1x128xf32> to vector<2000x128xf32>
    %add3A_17 = arith.addf %mul3A_12, %add3A_16 : vector<2000x128xf32>
    %max3A = arith.constant 0.000000e+00 : f32
    %max3A_18 = vector.broadcast %max3A : f32 to vector<2000x128xf32>
    %max3A_19 = arith.maximumf %add3A_17, %max3A_18 : vector<2000x128xf32>
    %get3A_20 = arith.constant 0 : index
    %get3A_21 = arith.constant 0 : index
    %get3A_22 = vector.load %arg6[%get3A_20, %get3A_21] : memref<128x200xf32, #tpu.memory_space<vmem>>, vector<128x200xf32>
    %dot_general3A = arith.constant dense<0.000000e+00> : vector<2000x200xf32>
    %dot_general3A_23 = tpu.matmul %max3A_19, %get3A_22, %dot_general3A {dimension_numbers = #tpu.dot_dimension_numbers<[1], [0], [0], [1], [0, 0, 1, 1], [], []>, transpose_lhs_hint = false} : vector<2000x128xf32>, vector<128x200xf32>, vector<2000x200xf32> -> vector<2000x200xf32>
    %get3A_24 = arith.constant 0 : index
    %get3A_25 = arith.constant 0 : index
    %get3A_26 = vector.load %arg7[%get3A_24, %get3A_25] : memref<1x200xf32, #tpu.memory_space<vmem>>, vector<1x200xf32>
    %add3A_27 = vector.broadcast %get3A_26 : vector<1x200xf32> to vector<2000x200xf32>
    %add3A_28 = arith.addf %dot_general3A_23, %add3A_27 : vector<2000x200xf32>
    %max3A_29 = arith.constant 0.000000e+00 : f32
    %max3A_30 = vector.broadcast %max3A_29 : f32 to vector<2000x200xf32>
    %max3A_31 = arith.maximumf %add3A_28, %max3A_30 : vector<2000x200xf32>
    %swap3A = arith.constant 0 : index
    %swap3A_32 = arith.constant 0 : index
    %swap3A_33 = vector.load %arg8[%swap3A, %swap3A_32] : memref<2000x200xf32, #tpu.memory_space<vmem>>, vector<2000x200xf32>
    tpu.vector_store %arg8[%swap3A, %swap3A_32], %max3A_31 {strides = array<i32>} : memref<2000x200xf32, #tpu.memory_space<vmem>>, vector<2000x200xf32>,
    %reduce_sum3A = arith.constant dense<0.000000e+00> : vector<200xf32>
    %reduce_sum3A_34 = vector.multi_reduction <add>, %max3A_31, %reduce_sum3A [0] : vector<2000x200xf32> to vector<200xf32>
    %broadcast_in_dim3A = vector.shape_cast %reduce_sum3A_34 : vector<200xf32> to vector<1x200xf32>
    %swap3A_35 = arith.constant 0 : index
    %swap3A_36 = arith.constant 0 : index
    %swap3A_37 = arith.constant 0 : index
    %swap3A_38 = vector.load %arg9[%swap3A_35, %swap3A_36, %swap3A_37] : memref<1x1x200xf32, #tpu.memory_space<vmem>>, vector<1x1x200xf32>
    %swap3A_39 = vector.shape_cast %swap3A_38 : vector<1x1x200xf32> to vector<1x200xf32>
    %swap3A_40 = vector.shape_cast %broadcast_in_dim3A : vector<1x200xf32> to vector<1x1x200xf32>
    tpu.vector_store %arg9[%swap3A_35, %swap3A_36, %swap3A_37], %swap3A_40 {strides = array<i32>} : memref<1x1x200xf32, #tpu.memory_space<vmem>>, vector<1x1x200xf32>,
    %mul3A_41 = arith.mulf %max3A_31, %max3A_31 : vector<2000x200xf32>
    %reduce_sum3A_42 = arith.constant dense<0.000000e+00> : vector<200xf32>
    %reduce_sum3A_43 = vector.multi_reduction <add>, %mul3A_41, %reduce_sum3A_42 [0] : vector<2000x200xf32> to vector<200xf32>
    %broadcast_in_dim3A_44 = vector.shape_cast %reduce_sum3A_43 : vector<200xf32> to vector<1x200xf32>
    %swap3A_45 = arith.constant 0 : index
    %swap3A_46 = arith.constant 0 : index
    %swap3A_47 = arith.constant 0 : index
    %swap3A_48 = vector.load %arg10[%swap3A_45, %swap3A_46, %swap3A_47] : memref<1x1x200xf32, #tpu.memory_space<vmem>>, vector<1x1x200xf32>
    %swap3A_49 = vector.shape_cast %swap3A_48 : vector<1x1x200xf32> to vector<1x200xf32>
    %swap3A_50 = vector.shape_cast %broadcast_in_dim3A_44 : vector<1x200xf32> to vector<1x1x200xf32>
    tpu.vector_store %arg10[%swap3A_45, %swap3A_46, %swap3A_47], %swap3A_50 {strides = array<i32>} : memref<1x1x200xf32, #tpu.memory_space<vmem>>, vector<1x1x200xf32>,
    return
  }
  func.func @transform_0(%arg0: i32) -> (i32, i32) {
    %c0_i32 = arith.constant 0 : i32
    %c0_i32_0 = arith.constant 0 : i32
    return %arg0, %c0_i32 : i32, i32
  }
  func.func @transform_1(%arg0: i32) -> (i32, i32) {
    %c0_i32 = arith.constant 0 : i32
    %c0_i32_0 = arith.constant 0 : i32
    return %arg0, %c0_i32 : i32, i32
  }
  func.func @transform_2(%arg0: i32) -> (i32, i32) {
    %c0_i32 = arith.constant 0 : i32
    %c0_i32_0 = arith.constant 0 : i32
    return %arg0, %c0_i32 : i32, i32
  }
  func.func @transform_3(%arg0: i32) -> (i32, i32) {
    %c0_i32 = arith.constant 0 : i32
    %c0_i32_0 = arith.constant 0 : i32
    return %arg0, %c0_i32 : i32, i32
  }
  func.func @transform_4(%arg0: i32) -> (i32, i32) {
    %c0_i32 = arith.constant 0 : i32
    %c0_i32_0 = arith.constant 0 : i32
    %c0_i32_1 = arith.constant 0 : i32
    return %c0_i32, %c0_i32_0 : i32, i32
  }
  func.func @transform_5(%arg0: i32) -> (i32, i32) {
    %c0_i32 = arith.constant 0 : i32
    %c0_i32_0 = arith.constant 0 : i32
    %c0_i32_1 = arith.constant 0 : i32
    return %c0_i32, %c0_i32_0 : i32, i32
  }
  func.func @transform_6(%arg0: i32) -> (i32, i32) {
    %c0_i32 = arith.constant 0 : i32
    %c0_i32_0 = arith.constant 0 : i32
    %c0_i32_1 = arith.constant 0 : i32
    return %c0_i32, %c0_i32_0 : i32, i32
  }
  func.func @transform_7(%arg0: i32) -> (i32, i32) {
    %c0_i32 = arith.constant 0 : i32
    %c0_i32_0 = arith.constant 0 : i32
    return %arg0, %c0_i32 : i32, i32
  }
  func.func @transform_8(%arg0: i32) -> (i32, i32, i32) {
    %c0_i32 = arith.constant 0 : i32
    %c0_i32_0 = arith.constant 0 : i32
    %c0_i32_1 = arith.constant 0 : i32
    return %arg0, %c0_i32, %c0_i32_0 : i32, i32, i32
  }
  func.func @transform_9(%arg0: i32) -> (i32, i32, i32) {
    %c0_i32 = arith.constant 0 : i32
    %c0_i32_0 = arith.constant 0 : i32
    %c0_i32_1 = arith.constant 0 : i32
    return %arg0, %c0_i32, %c0_i32_0 : i32, i32, i32
  }
}

module attributes {stable_mosaic.version = 14 : i64} {
  func.func @_tc_c2_body(%arg0: i32, %arg1: memref<2000x200xf32, #tpu.memory_space<vmem>>, %arg2: memref<5x1x200xf32, #tpu.memory_space<vmem>>, %arg3: memref<5x1x200xf32, #tpu.memory_space<vmem>>, %arg4: memref<1x200xf32, #tpu.memory_space<vmem>>, %arg5: memref<1x200xf32, #tpu.memory_space<vmem>>, %arg6: memref<200x2xf32, #tpu.memory_space<vmem>>, %arg7: memref<1x2xf32, #tpu.memory_space<vmem>>, %arg8: memref<2000x2xf32, #tpu.memory_space<vmem>>) attributes {dimension_semantics = [#tpu.dimension_semantics<arbitrary>], iteration_bounds = array<i64: 5>, scalar_prefetch = 0 : i64, scratch_operands = 0 : i64, tpu.core_type = #tpu.core_type<tc>, window_params = [{transform_indices = @transform_0, window_bounds = array<i64: 2000, 200>}, {pipeline_mode = #tpu.pipeline_mode<synchronous>, transform_indices = @transform_1, window_bounds = array<i64: 5, 1, 200>}, {pipeline_mode = #tpu.pipeline_mode<synchronous>, transform_indices = @transform_2, window_bounds = array<i64: 5, 1, 200>}, {pipeline_mode = #tpu.pipeline_mode<synchronous>, transform_indices = @transform_3, window_bounds = array<i64: 1, 200>}, {pipeline_mode = #tpu.pipeline_mode<synchronous>, transform_indices = @transform_4, window_bounds = array<i64: 1, 200>}, {pipeline_mode = #tpu.pipeline_mode<synchronous>, transform_indices = @transform_5, window_bounds = array<i64: 200, 2>}, {pipeline_mode = #tpu.pipeline_mode<synchronous>, transform_indices = @transform_6, window_bounds = array<i64: 1, 2>}, {transform_indices = @transform_7, window_bounds = array<i64: 2000, 2>}]} {
    %get3A = arith.constant 0 : index
    %get3A_0 = arith.constant 0 : index
    %get3A_1 = arith.constant 0 : index
    %get3A_2 = vector.load %arg2[%get3A, %get3A_0, %get3A_1] : memref<5x1x200xf32, #tpu.memory_space<vmem>>, vector<5x1x200xf32>
    %get3A_3 = vector.shape_cast %get3A_2 : vector<5x1x200xf32> to vector<5x200xf32>
    %reduce_sum3A = arith.constant dense<0.000000e+00> : vector<200xf32>
    %reduce_sum3A_4 = vector.multi_reduction <add>, %get3A_3, %reduce_sum3A [0] : vector<5x200xf32> to vector<200xf32>
    %broadcast_in_dim3A = vector.shape_cast %reduce_sum3A_4 : vector<200xf32> to vector<1x200xf32>
    %mul3A = arith.constant 9.99999974E-5 : f32
    %mul3A_5 = vector.broadcast %mul3A : f32 to vector<1x200xf32>
    %mul3A_6 = arith.mulf %broadcast_in_dim3A, %mul3A_5 : vector<1x200xf32>
    %get3A_7 = arith.constant 0 : index
    %get3A_8 = arith.constant 0 : index
    %get3A_9 = arith.constant 0 : index
    %get3A_10 = vector.load %arg3[%get3A_7, %get3A_8, %get3A_9] : memref<5x1x200xf32, #tpu.memory_space<vmem>>, vector<5x1x200xf32>
    %get3A_11 = vector.shape_cast %get3A_10 : vector<5x1x200xf32> to vector<5x200xf32>
    %reduce_sum3A_12 = arith.constant dense<0.000000e+00> : vector<200xf32>
    %reduce_sum3A_13 = vector.multi_reduction <add>, %get3A_11, %reduce_sum3A_12 [0] : vector<5x200xf32> to vector<200xf32>
    %broadcast_in_dim3A_14 = vector.shape_cast %reduce_sum3A_13 : vector<200xf32> to vector<1x200xf32>
    %mul3A_15 = arith.constant 9.99999974E-5 : f32
    %mul3A_16 = vector.broadcast %mul3A_15 : f32 to vector<1x200xf32>
    %mul3A_17 = arith.mulf %broadcast_in_dim3A_14, %mul3A_16 : vector<1x200xf32>
    %mul3A_18 = arith.mulf %mul3A_6, %mul3A_6 : vector<1x200xf32>
    %sub3A = arith.subf %mul3A_17, %mul3A_18 : vector<1x200xf32>
    %get3A_19 = arith.constant 0 : index
    %get3A_20 = arith.constant 0 : index
    %get3A_21 = vector.load %arg1[%get3A_19, %get3A_20] : memref<2000x200xf32, #tpu.memory_space<vmem>>, vector<2000x200xf32>
    %sub3A_22 = vector.broadcast %mul3A_6 : vector<1x200xf32> to vector<2000x200xf32>
    %sub3A_23 = arith.subf %get3A_21, %sub3A_22 : vector<2000x200xf32>
    %add3A = arith.constant 9.99999974E-6 : f32
    %add3A_24 = vector.broadcast %add3A : f32 to vector<1x200xf32>
    %add3A_25 = arith.addf %sub3A, %add3A_24 : vector<1x200xf32>
    %rsqrt3A = math.rsqrt %add3A_25 : vector<1x200xf32>
    %mul3A_26 = vector.broadcast %rsqrt3A : vector<1x200xf32> to vector<2000x200xf32>
    %mul3A_27 = arith.mulf %sub3A_23, %mul3A_26 : vector<2000x200xf32>
    %get3A_28 = arith.constant 0 : index
    %get3A_29 = arith.constant 0 : index
    %get3A_30 = vector.load %arg4[%get3A_28, %get3A_29] : memref<1x200xf32, #tpu.memory_space<vmem>>, vector<1x200xf32>
    %mul3A_31 = vector.broadcast %get3A_30 : vector<1x200xf32> to vector<2000x200xf32>
    %mul3A_32 = arith.mulf %mul3A_27, %mul3A_31 : vector<2000x200xf32>
    %get3A_33 = arith.constant 0 : index
    %get3A_34 = arith.constant 0 : index
    %get3A_35 = vector.load %arg5[%get3A_33, %get3A_34] : memref<1x200xf32, #tpu.memory_space<vmem>>, vector<1x200xf32>
    %add3A_36 = vector.broadcast %get3A_35 : vector<1x200xf32> to vector<2000x200xf32>
    %add3A_37 = arith.addf %mul3A_32, %add3A_36 : vector<2000x200xf32>
    %get3A_38 = arith.constant 0 : index
    %get3A_39 = arith.constant 0 : index
    %get3A_40 = vector.load %arg6[%get3A_38, %get3A_39] : memref<200x2xf32, #tpu.memory_space<vmem>>, vector<200x2xf32>
    %dot_general3A = arith.constant dense<0.000000e+00> : vector<2000x2xf32>
    %dot_general3A_41 = tpu.matmul %add3A_37, %get3A_40, %dot_general3A {dimension_numbers = #tpu.dot_dimension_numbers<[1], [0], [0], [1], [0, 0, 1, 1], [], []>, transpose_lhs_hint = false} : vector<2000x200xf32>, vector<200x2xf32>, vector<2000x2xf32> -> vector<2000x2xf32>
    %get3A_42 = arith.constant 0 : index
    %get3A_43 = arith.constant 0 : index
    %get3A_44 = vector.load %arg7[%get3A_42, %get3A_43] : memref<1x2xf32, #tpu.memory_space<vmem>>, vector<1x2xf32>
    %add3A_45 = vector.broadcast %get3A_44 : vector<1x2xf32> to vector<2000x2xf32>
    %add3A_46 = arith.addf %dot_general3A_41, %add3A_45 : vector<2000x2xf32>
    %swap3A = arith.constant 0 : index
    %swap3A_47 = arith.constant 0 : index
    %swap3A_48 = vector.load %arg8[%swap3A, %swap3A_47] : memref<2000x2xf32, #tpu.memory_space<vmem>>, vector<2000x2xf32>
    tpu.vector_store %arg8[%swap3A, %swap3A_47], %add3A_46 {strides = array<i32>} : memref<2000x2xf32, #tpu.memory_space<vmem>>, vector<2000x2xf32>,
    return
  }
  func.func @transform_0(%arg0: i32) -> (i32, i32) {
    %c0_i32 = arith.constant 0 : i32
    %c0_i32_0 = arith.constant 0 : i32
    return %arg0, %c0_i32 : i32, i32
  }
  func.func @transform_1(%arg0: i32) -> (i32, i32, i32) {
    %c0_i32 = arith.constant 0 : i32
    %c0_i32_0 = arith.constant 0 : i32
    %c0_i32_1 = arith.constant 0 : i32
    %c0_i32_2 = arith.constant 0 : i32
    return %c0_i32, %c0_i32_0, %c0_i32_1 : i32, i32, i32
  }
  func.func @transform_2(%arg0: i32) -> (i32, i32, i32) {
    %c0_i32 = arith.constant 0 : i32
    %c0_i32_0 = arith.constant 0 : i32
    %c0_i32_1 = arith.constant 0 : i32
    %c0_i32_2 = arith.constant 0 : i32
    return %c0_i32, %c0_i32_0, %c0_i32_1 : i32, i32, i32
  }
  func.func @transform_3(%arg0: i32) -> (i32, i32) {
    %c0_i32 = arith.constant 0 : i32
    %c0_i32_0 = arith.constant 0 : i32
    %c0_i32_1 = arith.constant 0 : i32
    return %c0_i32, %c0_i32_0 : i32, i32
  }
  func.func @transform_4(%arg0: i32) -> (i32, i32) {
    %c0_i32 = arith.constant 0 : i32
    %c0_i32_0 = arith.constant 0 : i32
    %c0_i32_1 = arith.constant 0 : i32
    return %c0_i32, %c0_i32_0 : i32, i32
  }
  func.func @transform_5(%arg0: i32) -> (i32, i32) {
    %c0_i32 = arith.constant 0 : i32
    %c0_i32_0 = arith.constant 0 : i32
    %c0_i32_1 = arith.constant 0 : i32
    return %c0_i32, %c0_i32_0 : i32, i32
  }
  func.func @transform_6(%arg0: i32) -> (i32, i32) {
    %c0_i32 = arith.constant 0 : i32
    %c0_i32_0 = arith.constant 0 : i32
    %c0_i32_1 = arith.constant 0 : i32
    return %c0_i32, %c0_i32_0 : i32, i32
  }
  func.func @transform_7(%arg0: i32) -> (i32, i32) {
    %c0_i32 = arith.constant 0 : i32
    %c0_i32_0 = arith.constant 0 : i32
    return %arg0, %c0_i32 : i32, i32
  }
}

</mosaic_0001>

<sc_bundles>
// kernel: kernel.10.cloned.1.call-start
scs
__scs_entry_jumppad:
0x0: {  	(pc) =	sbr.rel $0x88, $3  }
0x1: {  	(tag) =	ssettag $0x0;
	lr =	simm.s32 $0x1  }
0x2: {  	[smem:$0x3F95] =	sst lr;
	_ =	strace $0xD0000000  }
0x3: {  	_ = 	snop  }
0x4: {  	_ = 	snop  }
0x5: {  	_ = 	snop  }
0x6: {  	_ = 	snop  }
0x7: {  	_ = 	snop  }
__scs_overlays_trampoline_lowered:
0x8: {  	[smem:$0x3FA4] =	sst s0  }
0x9: {  	[smem:$0x3FA5] =	sst s1  }
0xa: {  	[smem:$0x3FA6] =	sst s2  }
0xb: {  	[smem:$0x3FA7] =	sst s3  }
0xc: {  	[smem:$0x3FA8] =	sst s4  }
0xd: {  	[smem:$0x3FA9] =	sst s5  }
0xe: {  	[smem:$0x3FAA] =	sst s6  }
0xf: {  	[smem:$0x3FAB] =	sst s7  }
0x10: {  	[smem:$0x3FAC] =	sst s8  }
0x11: {  	[smem:$0x3FAD] =	sst s9;
	s0 =	simm.s32 @!p0 $0x0  }
0x12: {  	s1 =	sld [smem:$0x3F93];
	s0 =	simm.s32 @p0 $0x1  }
0x13: {  	[smem:$0x3FAE] =	sst s0;
	s0 =	simm.s32 @!p1 $0x0  }
0x14: {  	s2 =	sld [smem:$0x3F92];
	s0 =	simm.s32 @p1 $0x1  }
0x15: {  	[smem:$0x3FAF] =	sst s0;
	s0 =	simm.s32 @!p2 $0x0  }
0x16: {  	s3 =	sld [smem:$0x3FDB];
	s0 =	simm.s32 @p2 $0x1  }
0x17: {  	s4 =	simm.s32 $0x1BF5;
	[smem:$0x3FB1] =	sst s0  }
0x18: {  	s0 =	sld [smem:$0x3F94];
	_ =	swait.ge [sflag:s4], $0x0  }
0x19: {  	s7 =	sld [smem:$0x3F95]  }
0x1a: {  	s8 =	sadd.s32 $0xFFFFE003, lr  }
0x1b: {  	s9 =	sadd.s32 $0xFFFFFEF7, lr;
	s5 =	simm.s32 $0xFFFFFFFF;
	p2 =	slt.u32 s8, $0xFFFFF086  }
0x1c: {  	p1 =	slt.u32 s9, $0xF7A;
	s5 =	simm.s32 @!p2 $0x0  }
0x1d: {  	s5 =	simm.s32 @p1 $0x1;
	p0 =	seq.s32 s7, s2  }
0x1e: {  	s7 =	smul.u32 @!p0 $0xF7A, s2;
	p2 =	seq.s32 @!p0 s5, $0x0  }
0x1f: {  	s9 =	smul.u32 $0xF7A, s1;
	s8 =	simm.s32 @!p0 $0x1BF5;
	p2 =	por !p2, p0  }
0x20: {  	[sflag:s8] =	ssyncset.s32 @!p0 $0xFFFFF086;
	s6 =	sadd.s32 @!p0 s3, s7;
	s7 =	simm.s32 @!p0 $0x108  }
0x21: {  	s3 =	sadd.s32 s3, s9;
	s6 =	sadd.s32 @!p0 $0x88, s6;
	s7 =	simm.s32 @p2 $0x1082  }
0x22: {  	[simem:s7], [sflag:s8] =	dma.local @!p0 [hbm:s6], $0xF7A  }
0x23: {  	s9 =	sor.u32 $0xD0000000, s2;
	s6 =	simm.s32 $0x108;
	_ =	swait.ge @!p0 [sflag:s8], $0x0  }
0x24: {  	s3 =	sadd.s32 $0x88, s3;
	s6 =	simm.s32 @!p1 $0x1082;
	[sflag:s4] =	ssyncset.s32 $0xFFFFF086  }
0x25: {  	[simem:s6], [sflag:s4] =	dma.local [hbm:s3], $0xF7A  }
0x26: {  	[smem:$0x3F95] =	sst s1;
	(tag) =	ssettag s2;
	_ =	strace s9  }
0x27: {  	s1 =	sld [smem:$0x3FA5]  }
0x28: {  	s2 =	sld [smem:$0x3FA6]  }
0x29: {  	s4 =	sld [smem:$0x3FA8]  }
0x2a: {  	p0 =	seq.s32 s5, $0x0;
	s5 =	sld [smem:$0x3FA9]  }
0x2b: {  	s6 =	sld [smem:$0x3FAA]  }
0x2c: {  	s7 =	sld [smem:$0x3FAB]  }
0x2d: {  	s3 =	simm.s32 $0x108;
	s8 =	sld [smem:$0x3FAC]  }
0x2e: {  	s3 =	simm.s32 @!p0 $0x1082;
	s9 =	sld [smem:$0x3FAD]  }
0x2f: {  	lr =	sadd.s32 s0, s3;
	s0 =	sld [smem:$0x3FA4]  }
0x30: {  	s3 =	sld [smem:$0x3FA7]  }
0x31: {  	[smem:$0x3FB0] =	sst s10  }
0x32: {  	s10 =	sld [smem:$0x3FAE];
	_ =	sdelay $0x3  }
0x33: {  	p0 =	seq.s32 s10, $0x1;
	s10 =	sld [smem:$0x3FB0];
	_ =	sdelay $0x3  }
0x34: {  	[smem:$0x3FB0] =	sst s10  }
0x35: {  	s10 =	sld [smem:$0x3FAF];
	_ =	sdelay $0x3  }
0x36: {  	p1 =	seq.s32 s10, $0x1;
	s10 =	sld [smem:$0x3FB0];
	_ =	sdelay $0x3  }
0x37: {  	[smem:$0x3FB0] =	sst s10  }
0x38: {  	s10 =	sld [smem:$0x3FB1]  }
0x39: {  	_ = 	snop;
	(pc) =	sbr.ind lr, $3  }
0x3a: {  	_ = 	snop  }
0x3b: {  	_ = 	snop  }
0x3c: {  	p2 =	seq.s32 s10, $0x1;
	s10 =	sld [smem:$0x3FB0]  }
0x3d: {  	_ =	shalt  }
0x3e: {  	_ =	shalt  }
0x3f: {  	_ =	shalt  }
0x40: {  	_ =	shalt  }
0x41: {  	_ =	shalt  }
0x42: {  	_ =	shalt  }
0x43: {  	_ =	shalt  }
0x44: {  	_ =	shalt  }
0x45: {  	_ =	shalt  }
0x46: {  	_ =	shalt  }
0x47: {  	_ =	shalt  }
0x48: {  	_ =	shalt  }
0x49: {  	_ =	shalt  }
0x4a: {  	_ =	shalt  }
0x4b: {  	_ =	shalt  }
0x4c: {  	_ =	shalt  }
0x4d: {  	_ =	shalt  }
0x4e: {  	_ =	shalt  }
0x4f: {  	_ =	shalt  }
0x50: {  	_ =	shalt  }
0x51: {  	_ =	shalt  }
0x52: {  	_ =	shalt  }
0x53: {  	_ =	shalt  }
0x54: {  	_ =	shalt  }
0x55: {  	_ =	shalt  }
0x56: {  	_ =	shalt  }
0x57: {  	_ =	shalt  }
0x58: {  	_ =	shalt  }
0x59: {  	_ =	shalt  }
0x5a: {  	_ =	shalt  }
0x5b: {  	_ =	shalt  }
0x5c: {  	_ =	shalt  }
0x5d: {  	_ =	shalt  }
0x5e: {  	_ =	shalt  }
0x5f: {  	_ =	shalt  }
0x60: {  	_ =	shalt  }
0x61: {  	_ =	shalt  }
0x62: {  	_ =	shalt  }
0x63: {  	_ =	shalt  }
0x64: {  	_ =	shalt  }
0x65: {  	_ =	shalt  }
0x66: {  	_ =	shalt  }
0x67: {  	_ =	shalt  }
0x68: {  	_ =	shalt  }
0x69: {  	_ =	shalt  }
0x6a: {  	_ =	shalt  }
0x6b: {  	_ =	shalt  }
0x6c: {  	_ =	shalt  }
0x6d: {  	_ =	shalt  }
0x6e: {  	_ =	shalt  }
0x6f: {  	_ =	shalt  }
0x70: {  	_ =	shalt  }
0x71: {  	_ =	shalt  }
0x72: {  	_ =	shalt  }
0x73: {  	_ =	shalt  }
0x74: {  	_ =	shalt  }
0x75: {  	_ =	shalt  }
0x76: {  	_ =	shalt  }
0x77: {  	_ =	shalt  }
0x78: {  	_ =	shalt  }
0x79: {  	_ =	shalt  }
0x7a: {  	_ =	shalt  }
0x7b: {  	_ =	shalt  }
0x7c: {  	_ =	shalt  }
0x7d: {  	_ =	shalt  }
0x7e: {  	_ =	shalt  }
0x7f: {  	_ =	shalt  }
0x80: {  	_ =	shalt  }
0x81: {  	_ =	shalt  }
0x82: {  	_ =	shalt  }
0x83: {  	_ =	shalt  }
0x84: {  	_ =	shalt  }
0x85: {  	_ =	shalt  }
0x86: {  	_ =	shalt  }
0x87: {  	_ =	shalt  }
.Lfunc_end0:
.L_simem_size_0:
called_computation_lowered:
.L_overlay_start_0:
0x88: {  	s2 =	sld [smem:$0x3FD9]  }
0x89: {  	s3 =	sld [smem:$0x3FFE];
	_ =	sdelay $0x1  }
0x8a: {  	s1 =	srdreg.scid  }
0x8b: {  	s0 =	sand.u32 $0x1, s1  }
0x8c: {  	s16 =	sshll.u32 s0, $0xA;
	s2 =	sadd.s32 s3, s2  }
0x8d: {  	s2 =	sadd.s32 s2, s16  }
0x8e: {  	[smem:$0x3FBC] =	sst s2  }
0x8f: {  	_ = 	snop  }
0x90: {  	(tm) =	ssettm $0x1  }
0x91: {  	s17 =	sld [smem:$0x3FFB];
	_ =	sdelay $0x3  }
0x92: {  	_ =	strace s17  }
0x93: {  	s2 =	sld [smem:$0x3FFC];
	_ =	sdelay $0x3  }
0x94: {  	_ =	strace s2  }
0x95: {  	s2 =	sld [smem:$0x3FFD];
	_ =	sdelay $0x3  }
0x96: {  	_ =	strace s2  }
0x97: {  	_ =	strace $0x8FFFFFFF  }
0x98: {  	s18 =	sld [smem:$0x3FDB];
	_ =	sdelay $0x1  }
0x99: {  	s19 =	simm.s32 $_scs_section_size  }
0x9a: {  	s4 =	simm.s32 $_size__tile_overlayer_lowered;
	s5 =	simm.s32 $_tile_overlayer_lowered  }
0x9b: {  	s22 =	simm.s32 $0x1BFF;
	s21 =	sshll.u32 s5, $0x1;
	s2 =	sadd.s32 s19, s18  }
0x9c: {  	s6 =	simm.s32 $0x0;
	s20 =	sshll.u32 s4, $0x1;
	s4 =	sadd.s32 s21, s2  }
0x9d: {  	[timem:s6], [sflag:s22] =	dma.local [hbm:s4], s20  }
0x9e: {  	_ =	swait.ge [sflag:s22], s20  }
0x9f: {  	s3 =	ssub.s32 $0x0, s20;
	[sflag:s22] =	ssyncset.done $0x0  }
0xa0: {  	[sflag:s22] =	ssyncadd.s32 s3;
	_ =	sdelay $0x1  }
0xa1: {  	s23 =	simm.s32 $0x1B8B  }
0xa2: {  	_ =	swait.ge [sflag:s23], $0x1  }
0xa3: {  	[sflag:s23] =	ssyncset.done $0x0  }
0xa4: {  	s25 =	simm.s32 $0x1B8E;
	s24 =	sld [smem:$0x3FFE];
	[sflag:s23] =	ssyncadd.s32 $0xFFFFFFFF  }
0xa5: {  	s26 =	simm.s32 $execute0_lowered;
	[smem:$0x3FD2] =	sst s25  }
0xa6: {  	s4 =	sshll.u32 s26, $0x1;
	_ =	strace $0x80000046;
	[dreg:$0x1] =	wrdreg $0xFFFFFFFF  }
0xa7: {  	s28 =	simm.s32 $_size_execute0_lowered;
	s2 =	sadd.s32 s2, s4;
	[dreg:$0x0] =	wrdreg $0x0  }
0xa8: {  	s4 =	sshll.u32 s28, $0x1;
	[dreg:$0x2] =	wrdreg s2  }
0xa9: {  	[dreg:$0x3] =	wrdreg s4  }
0xaa: {  	[dreg:$0x4] =	wrdreg $0xC0  }
0xab: {  	_ =	task [dreg:s6], $0x5FFFF  }
0xac: {  	[dreg:$0x1] =	wrdreg $0xFFFFFFFF  }
0xad: {  	[dreg:$0x0] =	wrdreg $0x60  }
0xae: {  	[dreg:$0x2] =	wrdreg s24  }
0xaf: {  	[dreg:$0x3] =	wrdreg $0x94000  }
0xb0: {  	[dreg:$0x4] =	wrdreg $0x9  }
0xb1: {  	_ =	task.clear_ibuf [dreg:s6], $0x5FFFF;
	_ =	strace $0x90000046  }
0xb2: {  	s29 =	simm.s32 $0x9;
	_ =	strace $0x80000048  }
0xb3: {  	_ =	swait.ge [sflag:s29], $0x1  }
0xb4: {  	[sflag:s29] =	ssyncadd.s32 $0xFFFFFFFF  }
0xb5: {  	_ =	strace $0x90000048  }
0xb6: {  	_ =	sfence  }
0xb7: {  	s30 =	sld [smem:$0x0];
	_ =	sdelay $0x2  }
0xb8: {  	s31 =	sshll.u32 s1, $0xD;
	s1 =	sshrl.u32 s1, $0x2  }
0xb9: {  	s3 =	sand.u32 $0x4000, s31;
	s1 =	sadd.s32 s1, s30  }
0xba: {  	s0 =	sor.u32 s3, s0;
	s1 =	sshll.u32 s1, $0x11  }
0xbb: {  	s0 =	sor.u32 s1, s0  }
0xbc: {  	s0 =	sadd.s32 $0x8F2B, s0  }
0xbd: {  	[sflag:s0] =	ssyncadd.remote.s32 $0x1  }
0xbe: {  	_ =	sfence.sel $0xFFFF  }
0xbf: {  	[dreg:$0x0] =	wrdreg $0xFFFFFFFF;
	(pc) =	sbr.abs _section_cstart, $3  }
0xc0: {  	[dreg:$0x1] =	wrdreg $0xFFFFFFFF  }
0xc1: {  	_ =	task.clear_ibuf [dreg:s6], $0x2FFFF;
	_ =	strace $0x9FFFFFFF  }
0xc2: {  	(tm) =	ssettm $0x7FFFFFFF  }
0xc3: {  	_ =	shalt  }
tec
execute0_lowered:
.L_overlay_start_1:
0x0: {  	(tag) =	ssettag $0x1  }
0x1: {  	s4 =	rddreg [dreg:$0x0]  }
0x2: {  	s0 =	srdreg.scid;
	s2 =	rddreg [dreg:$0x1]  }
0x3: {  	s3 =	simm.s32 $0x0;
	s13 =	simm.s32 $0x5400;
	s5 =	sand.u32 $0x1, s0  }
0x4: {  	s14 =	simm.s32 $0x80;
	s0 =	stileid.u32;
	s6 =	smul.u32 $0x138800, s5  }
0x5: {  	s15 =	simm.s32 $0x1400;
	[smem:$0x7FF] =	sst s3;
	s8 =	smul.u32 $0x1F400, s0  }
0x6: {  	s1 =	sshll.u32 s5, $0x4;
	s29 =	smul.u32 $0x50000, s0;
	s5 =	ssub.s32 $0x2, s5  }
0x7: {  	s9 =	smul.u32 $0x7D000, s0;
	p0 =	sgt.u32 s0, $0x9;
	s7 =	sor.u32 s0, s1  }
0x8: {  	s1 =	rddreg [dreg:$0x2];
	_ =	strace $0x80000047;
	s31 =	sshrl.u32 s5, $0x1  }
0x9: {  	s16 =	sshll.u32 @!p0 s0, $0x6;
	s7 =	smul.u32 $0x280, s7;
	s6 =	sadd.s32 s8, s6  }
0xa: {  	s30 =	sshrl.u32 s29, $0x2;
	s11 =	ssub.s32 s5, s31;
	s12 =	sshrl.u32 s9, $0x2  }
0xb: {  	s16 =	sor.u32 @!p0 $0x1C01, s16;
	s6 =	sshrl.u32 s6, $0x3;
	s17 =	sadd.s32 s12, s2  }
0xc: {  	s11 =	smax.u32 s11, $0x1;
	s12 =	simm.s32 $0x1;
	s7 =	sadd.s32 s7, s4  }
0xd: {  	s10 =	sadd.s32 s6, s4;
	s4 =	sadd.s32 s30, s2;
	s17 =	sshrl.u32 @!p0 s17, $0x3  }
0xe: {  	s5 =	sadd.s32 $0x3A00, s7;
	s6 =	sadd.s32 $0x4000, s4;
	s7 =	sadd.s32 $0x8000, s4  }
0xf: {  	v0 =	vimm.f32 $1.000000000e+00;
	v1 =	vimm.f32 $0.0e+00;
	s8 =	sadd.s32 $0xC000, s4;
	s9 =	sadd.s32 $0x10000, s4;
	s10 =	sadd.s32 $0x8A00, s10  }
.LBB2_1:
0x10: {  	s18 =	simm.s32 $0x200;
	s19 =	simm.s32 $0x0  }
.LBB2_2:
0x11: {  	p1 =	sne.s32 s18, $0xFE00;
	[tilespmem:s19+$0x1400] =	vst v0;
	s20 =	smov.u32 s18;
	s18 =	sadd.s32 $0x200, s18  }
.Ltmp0:
0x12: {  	[tilespmem:s19+$0x5400] =	vst v1;
	(pc) =	sbr.rel @p1 .LBB2_2-.Ltmp0, $2  }
0x13: {  	_ =	sdelay $0x2  }
0x14: {  	s19 =	sshra.s32 s20, $0x2  }
0x15: {  	[tilespmem:s19+$0x1400] =	vst v0  }
0x16: {  	[tilespmem:s19+$0x5400] =	vst v1;
	s18 =	simm.s32 $0x0  }
0x17: {  	[tilespmem:s18], [sflag:$0x1] =	stream.linear.gather [hbm4b:s5+s18], $0x1400, $0x38;
	[tilespmem:$0xBC00] =	vst v63  }
0x18: {  	_ =	swait.ge [sflag:s12], $0x1400  }
0x19: {  	[sflag:s12] =	ssyncset.done $0x0  }
0x1a: {  	[sflag:s12] =	ssyncadd.s32 $0xFFFFEC00  }
0x1b: {  	[spmem:s4] =	stream.linear.scatter [tilespmem:s13], [sflag:$0x1], $0x4000, $0x38;
	[tilespmem:$0xBC00] =	vst v63  }
0x1c: {  	_ =	swait.ge [sflag:s12], $0x4000  }
0x1d: {  	[sflag:s12] =	ssyncset.done $0x0  }
0x1e: {  	[sflag:s12] =	ssyncadd.s32 $0xFFFFC000  }
0x1f: {  	[spmem:s6] =	stream.linear.scatter [tilespmem:s13], [sflag:$0x1], $0x4000, $0x38;
	[tilespmem:$0xBC00] =	vst v63  }
0x20: {  	_ =	swait.ge [sflag:s12], $0x4000  }
0x21: {  	[sflag:s12] =	ssyncset.done $0x0  }
0x22: {  	[sflag:s12] =	ssyncadd.s32 $0xFFFFC000  }
0x23: {  	[spmem:s7] =	stream.linear.scatter [tilespmem:s13], [sflag:$0x1], $0x4000, $0x38;
	[tilespmem:$0xBC00] =	vst v63  }
0x24: {  	_ =	swait.ge [sflag:s12], $0x4000  }
0x25: {  	[sflag:s12] =	ssyncset.done $0x0  }
0x26: {  	[sflag:s12] =	ssyncadd.s32 $0xFFFFC000  }
0x27: {  	[spmem:s8] =	stream.linear.scatter [tilespmem:s13], [sflag:$0x1], $0x4000, $0x38;
	[tilespmem:$0xBC00] =	vst v63  }
0x28: {  	_ =	swait.ge [sflag:s12], $0x4000  }
0x29: {  	[sflag:s12] =	ssyncset.done $0x0  }
0x2a: {  	[sflag:s12] =	ssyncadd.s32 $0xFFFFC000  }
0x2b: {  	[spmem:s9] =	stream.linear.scatter [tilespmem:s13], [sflag:$0x1], $0x4000, $0x38;
	[tilespmem:$0xBC00] =	vst v63  }
0x2c: {  	_ =	swait.ge [sflag:s12], $0x4000  }
0x2d: {  	[sflag:s12] =	ssyncset.done $0x0  }
0x2e: {  	[sflag:s12] =	ssyncadd.s32 $0xFFFFC000  }
0x2f: {  	s31 =	simm.s32 $0x0;
	[bflag:$0x0] =	sbarrier.arrive $0xFFFF  }
0x30: {  	[spmem:s2] =	stream.indirect.scatter.add.f32 [tilespmem:s15], [sflag:$0x1], $0x10, s31, s14, $0xb8;
	[tilespmem:$0xBC00] =	vst v63  }
0x31: {  	_ =	swait.ge [sflag:s12], $0x800  }
0x32: {  	s18 =	simm.s32 $0x200;
	[sflag:s12] =	ssyncset.done $0x0  }
.LBB2_4:
0x33: {  	s19 =	sshra.s32 s18, $0x2;
	[sflag:s12] =	ssyncadd.s32 $0xFFFFF800;
	p1 =	sne.s32 s18, $0x4E00  }
0x34: {  	[spmem:s2] =	stream.indirect.scatter.add.f32 [tilespmem:s15], [sflag:$0x1], $0x10, s19, s14, $0xb8;
	[tilespmem:$0xBC00] =	vst v63  }
.Ltmp1:
0x35: {  	_ = 	snop;
	(pc) =	sbr.rel @p1 .LBB2_4-.Ltmp1, $4  }
0x36: {  	_ = 	snop  }
0x37: {  	s18 =	sadd.s32 $0x200, s18  }
0x38: {  	_ =	swait.ge [sflag:s12], $0x800  }
0x39: {  	[sflag:s12] =	ssyncset.done $0x0  }
0x3a: {  	s3 =	sadd.s32 $0x1, s3  }
0x3b: {  	[sflag:s12] =	ssyncadd.s32 $0xFFFFF800;
	p1 =	sne.s32 s3, s11  }
.Ltmp2:
0x3c: {  	s18 =	simm.s32 @!p0 $0x1;
	[bflag:$0x0] =	sbarrier.arrive $0xFFFF;
	(pc) =	sbr.rel @p1 .LBB2_1-.Ltmp2, $4  }
0x3d: {  	[hbm:s10], [sflag:s16] =	dma.local @!p0 [spmem:s17], $0x3E80  }
0x3e: {  	_ =	swait.ge @!p0 [sflag:s18], $0x3E80  }
0x3f: {  	[sflag:s18] =	ssyncset.done @!p0 $0x0  }
0x40: {  	[sflag:s18] =	ssyncadd.s32 @!p0 $0xFFFFC180  }
0x41: {  	_ =	sfence.sel $0x180000  }
0x42: {  	[bflag:$0x0] =	sbarrier.arrive $0xFFFF  }
0x43: {  	p0 =	sne.s32 s0, $0x0;
	_ =	strace $0x90000047  }
0x44: {  	s0 =	sadd.s32 @!p0 $0x100000, s1;
	[bflag:$0x2] =	sbarrier.arrive $0xFFFF  }
0x45: {  	[sflag:s0] =	ssyncadd.tile.s32 @!p0 $0x1;
	_ =	shalt  }
.Lfunc_end2:
_tile_overlayer_lowered:
.L_overlay_start_2:
0x46: {  	(tag) =	ssettag $0x2  }
0x47: {  	s0 =	rddreg [dreg:$0x0];
	s2 =	stileid.u32  }
0x48: {  	s1 =	rddreg [dreg:$0x1];
	p0 =	sne.s32 s2, $0x0  }
0x49: {  	s3 =	rddreg [dreg:$0x2];
	[bflag:$0x3] =	sbarrier.arrive $0xFFFF;
	s2 =	simm.s32 @!p0 $0x1C01  }
0x4a: {  	[timem:s3], [sflag:s2] =	dma.local @!p0 [hbm:s0], s1  }
0x4b: {  	s0 =	simm.s32 @!p0 $0x1  }
0x4c: {  	_ =	swait.ge @!p0 [sflag:s0], s1  }
0x4d: {  	s1 =	ssub.s32 @!p0 $0x0, s1;
	[sflag:s0] =	ssyncset.done @!p0 $0x0  }
0x4e: {  	[sflag:s0] =	ssyncadd.s32 @!p0 s1  }
0x4f: {  	[bflag:$0x3] =	sbarrier.arrive $0xFFFF  }
0x50: {  	_ =	shalt  }

// kernel: kernel.13.cloned.1.call-start
scs
__scs_entry_jumppad:
0x0: {  	(pc) =	sbr.rel $0x88, $3  }
0x1: {  	(tag) =	ssettag $0x0;
	lr =	simm.s32 $0x1  }
0x2: {  	[smem:$0x3F95] =	sst lr;
	_ =	strace $0xD0000000  }
0x3: {  	_ = 	snop  }
0x4: {  	_ = 	snop  }
0x5: {  	_ = 	snop  }
0x6: {  	_ = 	snop  }
0x7: {  	_ = 	snop  }
__scs_overlays_trampoline_lowered:
0x8: {  	[smem:$0x3FA4] =	sst s0  }
0x9: {  	[smem:$0x3FA5] =	sst s1  }
0xa: {  	[smem:$0x3FA6] =	sst s2  }
0xb: {  	[smem:$0x3FA7] =	sst s3  }
0xc: {  	[smem:$0x3FA8] =	sst s4  }
0xd: {  	[smem:$0x3FA9] =	sst s5  }
0xe: {  	[smem:$0x3FAA] =	sst s6  }
0xf: {  	[smem:$0x3FAB] =	sst s7  }
0x10: {  	[smem:$0x3FAC] =	sst s8  }
0x11: {  	[smem:$0x3FAD] =	sst s9;
	s0 =	simm.s32 @!p0 $0x0  }
0x12: {  	s1 =	sld [smem:$0x3F93];
	s0 =	simm.s32 @p0 $0x1  }
0x13: {  	[smem:$0x3FAE] =	sst s0;
	s0 =	simm.s32 @!p1 $0x0  }
0x14: {  	s2 =	sld [smem:$0x3F92];
	s0 =	simm.s32 @p1 $0x1  }
0x15: {  	[smem:$0x3FAF] =	sst s0;
	s0 =	simm.s32 @!p2 $0x0  }
0x16: {  	s3 =	sld [smem:$0x3FDB];
	s0 =	simm.s32 @p2 $0x1  }
0x17: {  	s4 =	simm.s32 $0x1BF5;
	[smem:$0x3FB1] =	sst s0  }
0x18: {  	s0 =	sld [smem:$0x3F94];
	_ =	swait.ge [sflag:s4], $0x0  }
0x19: {  	s7 =	sld [smem:$0x3F95]  }
0x1a: {  	s8 =	sadd.s32 $0xFFFFE003, lr  }
0x1b: {  	s9 =	sadd.s32 $0xFFFFFEF7, lr;
	s5 =	simm.s32 $0xFFFFFFFF;
	p2 =	slt.u32 s8, $0xFFFFF086  }
0x1c: {  	p1 =	slt.u32 s9, $0xF7A;
	s5 =	simm.s32 @!p2 $0x0  }
0x1d: {  	s5 =	simm.s32 @p1 $0x1;
	p0 =	seq.s32 s7, s2  }
0x1e: {  	s7 =	smul.u32 @!p0 $0xF7A, s2;
	p2 =	seq.s32 @!p0 s5, $0x0  }
0x1f: {  	s9 =	smul.u32 $0xF7A, s1;
	s8 =	simm.s32 @!p0 $0x1BF5;
	p2 =	por !p2, p0  }
0x20: {  	[sflag:s8] =	ssyncset.s32 @!p0 $0xFFFFF086;
	s6 =	sadd.s32 @!p0 s3, s7;
	s7 =	simm.s32 @!p0 $0x108  }
0x21: {  	s3 =	sadd.s32 s3, s9;
	s6 =	sadd.s32 @!p0 $0x88, s6;
	s7 =	simm.s32 @p2 $0x1082  }
0x22: {  	[simem:s7], [sflag:s8] =	dma.local @!p0 [hbm:s6], $0xF7A  }
0x23: {  	s9 =	sor.u32 $0xD0000000, s2;
	s6 =	simm.s32 $0x108;
	_ =	swait.ge @!p0 [sflag:s8], $0x0  }
0x24: {  	s3 =	sadd.s32 $0x88, s3;
	s6 =	simm.s32 @!p1 $0x1082;
	[sflag:s4] =	ssyncset.s32 $0xFFFFF086  }
0x25: {  	[simem:s6], [sflag:s4] =	dma.local [hbm:s3], $0xF7A  }
0x26: {  	[smem:$0x3F95] =	sst s1;
	(tag) =	ssettag s2;
	_ =	strace s9  }
0x27: {  	s1 =	sld [smem:$0x3FA5]  }
0x28: {  	s2 =	sld [smem:$0x3FA6]  }
0x29: {  	s4 =	sld [smem:$0x3FA8]  }
0x2a: {  	p0 =	seq.s32 s5, $0x0;
	s5 =	sld [smem:$0x3FA9]  }
0x2b: {  	s6 =	sld [smem:$0x3FAA]  }
0x2c: {  	s7 =	sld [smem:$0x3FAB]  }
0x2d: {  	s3 =	simm.s32 $0x108;
	s8 =	sld [smem:$0x3FAC]  }
0x2e: {  	s3 =	simm.s32 @!p0 $0x1082;
	s9 =	sld [smem:$0x3FAD]  }
0x2f: {  	lr =	sadd.s32 s0, s3;
	s0 =	sld [smem:$0x3FA4]  }
0x30: {  	s3 =	sld [smem:$0x3FA7]  }
0x31: {  	[smem:$0x3FB0] =	sst s10  }
0x32: {  	s10 =	sld [smem:$0x3FAE];
	_ =	sdelay $0x3  }
0x33: {  	p0 =	seq.s32 s10, $0x1;
	s10 =	sld [smem:$0x3FB0];
	_ =	sdelay $0x3  }
0x34: {  	[smem:$0x3FB0] =	sst s10  }
0x35: {  	s10 =	sld [smem:$0x3FAF];
	_ =	sdelay $0x3  }
0x36: {  	p1 =	seq.s32 s10, $0x1;
	s10 =	sld [smem:$0x3FB0];
	_ =	sdelay $0x3  }
0x37: {  	[smem:$0x3FB0] =	sst s10  }
0x38: {  	s10 =	sld [smem:$0x3FB1]  }
0x39: {  	_ = 	snop;
	(pc) =	sbr.ind lr, $3  }
0x3a: {  	_ = 	snop  }
0x3b: {  	_ = 	snop  }
0x3c: {  	p2 =	seq.s32 s10, $0x1;
	s10 =	sld [smem:$0x3FB0]  }
0x3d: {  	_ =	shalt  }
0x3e: {  	_ =	shalt  }
0x3f: {  	_ =	shalt  }
0x40: {  	_ =	shalt  }
0x41: {  	_ =	shalt  }
0x42: {  	_ =	shalt  }
0x43: {  	_ =	shalt  }
0x44: {  	_ =	shalt  }
0x45: {  	_ =	shalt  }
0x46: {  	_ =	shalt  }
0x47: {  	_ =	shalt  }
0x48: {  	_ =	shalt  }
0x49: {  	_ =	shalt  }
0x4a: {  	_ =	shalt  }
0x4b: {  	_ =	shalt  }
0x4c: {  	_ =	shalt  }
0x4d: {  	_ =	shalt  }
0x4e: {  	_ =	shalt  }
0x4f: {  	_ =	shalt  }
0x50: {  	_ =	shalt  }
0x51: {  	_ =	shalt  }
0x52: {  	_ =	shalt  }
0x53: {  	_ =	shalt  }
0x54: {  	_ =	shalt  }
0x55: {  	_ =	shalt  }
0x56: {  	_ =	shalt  }
0x57: {  	_ =	shalt  }
0x58: {  	_ =	shalt  }
0x59: {  	_ =	shalt  }
0x5a: {  	_ =	shalt  }
0x5b: {  	_ =	shalt  }
0x5c: {  	_ =	shalt  }
0x5d: {  	_ =	shalt  }
0x5e: {  	_ =	shalt  }
0x5f: {  	_ =	shalt  }
0x60: {  	_ =	shalt  }
0x61: {  	_ =	shalt  }
0x62: {  	_ =	shalt  }
0x63: {  	_ =	shalt  }
0x64: {  	_ =	shalt  }
0x65: {  	_ =	shalt  }
0x66: {  	_ =	shalt  }
0x67: {  	_ =	shalt  }
0x68: {  	_ =	shalt  }
0x69: {  	_ =	shalt  }
0x6a: {  	_ =	shalt  }
0x6b: {  	_ =	shalt  }
0x6c: {  	_ =	shalt  }
0x6d: {  	_ =	shalt  }
0x6e: {  	_ =	shalt  }
0x6f: {  	_ =	shalt  }
0x70: {  	_ =	shalt  }
0x71: {  	_ =	shalt  }
0x72: {  	_ =	shalt  }
0x73: {  	_ =	shalt  }
0x74: {  	_ =	shalt  }
0x75: {  	_ =	shalt  }
0x76: {  	_ =	shalt  }
0x77: {  	_ =	shalt  }
0x78: {  	_ =	shalt  }
0x79: {  	_ =	shalt  }
0x7a: {  	_ =	shalt  }
0x7b: {  	_ =	shalt  }
0x7c: {  	_ =	shalt  }
0x7d: {  	_ =	shalt  }
0x7e: {  	_ =	shalt  }
0x7f: {  	_ =	shalt  }
0x80: {  	_ =	shalt  }
0x81: {  	_ =	shalt  }
0x82: {  	_ =	shalt  }
0x83: {  	_ =	shalt  }
0x84: {  	_ =	shalt  }
0x85: {  	_ =	shalt  }
0x86: {  	_ =	shalt  }
0x87: {  	_ =	shalt  }
.Lfunc_end0:
.L_simem_size_0:
called_computation.1_lowered:
.L_overlay_start_0:
0x88: {  	s2 =	sld [smem:$0x3FD9]  }
0x89: {  	s3 =	sld [smem:$0x3FFE];
	_ =	sdelay $0x1  }
0x8a: {  	s1 =	srdreg.scid  }
0x8b: {  	s0 =	sand.u32 $0x1, s1  }
0x8c: {  	s16 =	sshll.u32 s0, $0xA;
	s2 =	sadd.s32 s3, s2  }
0x8d: {  	s2 =	sadd.s32 s2, s16  }
0x8e: {  	[smem:$0x3FBC] =	sst s2  }
0x8f: {  	_ = 	snop  }
0x90: {  	(tm) =	ssettm $0x1  }
0x91: {  	s17 =	sld [smem:$0x3FFB];
	_ =	sdelay $0x3  }
0x92: {  	_ =	strace s17  }
0x93: {  	s2 =	sld [smem:$0x3FFC];
	_ =	sdelay $0x3  }
0x94: {  	_ =	strace s2  }
0x95: {  	s2 =	sld [smem:$0x3FFD];
	_ =	sdelay $0x3  }
0x96: {  	_ =	strace s2  }
0x97: {  	_ =	strace $0x8FFFFFFF  }
0x98: {  	s18 =	sld [smem:$0x3FDB];
	_ =	sdelay $0x1  }
0x99: {  	s19 =	simm.s32 $_scs_section_size  }
0x9a: {  	s4 =	simm.s32 $_size__tile_overlayer_lowered;
	s5 =	simm.s32 $_tile_overlayer_lowered  }
0x9b: {  	s22 =	simm.s32 $0x1BFF;
	s21 =	sshll.u32 s5, $0x1;
	s2 =	sadd.s32 s19, s18  }
0x9c: {  	s6 =	simm.s32 $0x0;
	s20 =	sshll.u32 s4, $0x1;
	s4 =	sadd.s32 s21, s2  }
0x9d: {  	[timem:s6], [sflag:s22] =	dma.local [hbm:s4], s20  }
0x9e: {  	_ =	swait.ge [sflag:s22], s20  }
0x9f: {  	s3 =	ssub.s32 $0x0, s20;
	[sflag:s22] =	ssyncset.done $0x0  }
0xa0: {  	[sflag:s22] =	ssyncadd.s32 s3;
	_ =	sdelay $0x1  }
0xa1: {  	s23 =	simm.s32 $0x1B8B  }
0xa2: {  	_ =	swait.ge [sflag:s23], $0x1  }
0xa3: {  	[sflag:s23] =	ssyncset.done $0x0  }
0xa4: {  	s25 =	simm.s32 $0x1B8E;
	s24 =	sld [smem:$0x3FFE];
	[sflag:s23] =	ssyncadd.s32 $0xFFFFFFFF  }
0xa5: {  	s26 =	simm.s32 $execute0_lowered;
	[smem:$0x3FD2] =	sst s25  }
0xa6: {  	s4 =	sshll.u32 s26, $0x1;
	_ =	strace $0x80000049;
	[dreg:$0x1] =	wrdreg $0xFFFFFFFF  }
0xa7: {  	s28 =	simm.s32 $_size_execute0_lowered;
	s2 =	sadd.s32 s2, s4;
	[dreg:$0x0] =	wrdreg $0x0  }
0xa8: {  	s4 =	sshll.u32 s28, $0x1;
	[dreg:$0x2] =	wrdreg s2  }
0xa9: {  	[dreg:$0x3] =	wrdreg s4  }
0xaa: {  	[dreg:$0x4] =	wrdreg $0xC0  }
0xab: {  	_ =	task [dreg:s6], $0x5FFFF  }
0xac: {  	[dreg:$0x1] =	wrdreg $0xFFFFFFFF  }
0xad: {  	[dreg:$0x0] =	wrdreg $0x60  }
0xae: {  	[dreg:$0x2] =	wrdreg s24  }
0xaf: {  	[dreg:$0x3] =	wrdreg $0xA8000  }
0xb0: {  	[dreg:$0x4] =	wrdreg $0x9  }
0xb1: {  	_ =	task.clear_ibuf [dreg:s6], $0x5FFFF;
	_ =	strace $0x90000049  }
0xb2: {  	s29 =	simm.s32 $0x9;
	_ =	strace $0x8000004B  }
0xb3: {  	_ =	swait.ge [sflag:s29], $0x1  }
0xb4: {  	[sflag:s29] =	ssyncadd.s32 $0xFFFFFFFF  }
0xb5: {  	_ =	strace $0x9000004B  }
0xb6: {  	_ =	sfence  }
0xb7: {  	s30 =	sld [smem:$0x0];
	_ =	sdelay $0x2  }
0xb8: {  	s31 =	sshll.u32 s1, $0xD;
	s1 =	sshrl.u32 s1, $0x2  }
0xb9: {  	s3 =	sand.u32 $0x4000, s31;
	s1 =	sadd.s32 s1, s30  }
0xba: {  	s0 =	sor.u32 s3, s0;
	s1 =	sshll.u32 s1, $0x11  }
0xbb: {  	s0 =	sor.u32 s1, s0  }
0xbc: {  	s0 =	sadd.s32 $0x8F2B, s0  }
0xbd: {  	[sflag:s0] =	ssyncadd.remote.s32 $0x1  }
0xbe: {  	_ =	sfence.sel $0xFFFF  }
0xbf: {  	[dreg:$0x0] =	wrdreg $0xFFFFFFFF;
	(pc) =	sbr.abs _section_cstart, $3  }
0xc0: {  	[dreg:$0x1] =	wrdreg $0xFFFFFFFF  }
0xc1: {  	_ =	task.clear_ibuf [dreg:s6], $0x2FFFF;
	_ =	strace $0x9FFFFFFF  }
0xc2: {  	(tm) =	ssettm $0x7FFFFFFF  }
0xc3: {  	_ =	shalt  }
tec
execute0_lowered:
.L_overlay_start_1:
0x0: {  	(tag) =	ssettag $0x1  }
0x1: {  	s5 =	rddreg [dreg:$0x0]  }
0x2: {  	s1 =	rddreg [dreg:$0x1]  }
0x3: {  	s2 =	srdreg.scid;
	s0 =	rddreg [dreg:$0x2]  }
0x4: {  	s3 =	simm.s32 $0x0;
	s15 =	simm.s32 $0x1400;
	s16 =	simm.s32 $0x6800  }
0x5: {  	s17 =	simm.s32 $0x80;
	s18 =	simm.s32 $0x2800;
	s6 =	sand.u32 $0x1, s2  }
0x6: {  	s19 =	simm.s32 $0x1;
	s2 =	stileid.u32;
	s7 =	smul.u32 $0x138800, s6  }
0x7: {  	[smem:$0x7FF] =	sst s3;
	s4 =	sshll.u32 s6, $0x4;
	s8 =	smul.u32 $0x1F400, s2  }
0x8: {  	_ =	strace $0x8000004A;
	s6 =	ssub.s32 $0x2, s6;
	s29 =	smul.u32 $0x50000, s2  }
0x9: {  	s14 =	smul.u32 $0x7D000, s2;
	p0 =	sgt.u32 s2, $0x9;
	s9 =	sor.u32 s2, s4  }
0xa: {  	s4 =	sadd.s32 $0x8A00, s5;
	s30 =	sshrl.u32 s6, $0x1;
	s20 =	sshll.u32 @!p0 s2, $0x6  }
0xb: {  	s9 =	smul.u32 $0x280, s9;
	s7 =	sadd.s32 s8, s7;
	s13 =	ssub.s32 s6, s30  }
0xc: {  	s31 =	sshrl.u32 s29, $0x2;
	s14 =	sshrl.u32 s14, $0x2;
	s20 =	sor.u32 @!p0 $0x1C02, s20  }
0xd: {  	s7 =	sshrl.u32 s7, $0x3;
	s21 =	sadd.s32 s14, s1;
	s13 =	smax.u32 s13, $0x1  }
0xe: {  	s14 =	simm.s32 $0x2;
	s9 =	sadd.s32 s9, s5;
	s12 =	sadd.s32 s7, s5  }
0xf: {  	s7 =	sadd.s32 s31, s1;
	s21 =	sshrl.u32 @!p0 s21, $0x3;
	s5 =	sadd.s32 $0x56C00, s9  }
0x10: {  	s6 =	sadd.s32 $0x3A00, s9;
	s8 =	sadd.s32 $0x4000, s7;
	s9 =	sadd.s32 $0x8000, s7  }
0x11: {  	v0 =	vimm.f32 $0.0e+00;
	s10 =	sadd.s32 $0xC000, s7;
	s11 =	sadd.s32 $0x10000, s7;
	s12 =	sadd.s32 $0x5BC00, s12  }
.LBB2_1:
0x12: {  	s22 =	simm.s32 $0x0;
	s23 =	simm.s32 $0x200  }
.LBB2_2:
0x13: {  	p1 =	sne.s32 s23, $0xFE00;
	[tilespmem:s22+$0x6870] =	vst v0  }
0x14: {  	[tilespmem:s22+$0x6800] =	vst v0  }
0x15: {  	[tilespmem:s22+$0x6810] =	vst v0  }
.Ltmp0:
0x16: {  	[tilespmem:s22+$0x6820] =	vst v0;
	(pc) =	sbr.rel @p1 .LBB2_2-.Ltmp0, $4  }
0x17: {  	[tilespmem:s22+$0x6830] =	vst v0  }
0x18: {  	[tilespmem:s22+$0x6840] =	vst v0  }
0x19: {  	[tilespmem:s22+$0x6850] =	vst v0  }
0x1a: {  	[tilespmem:s22+$0x6860] =	vst v0;
	s22 =	sshra.s32 s23, $0x2;
	s23 =	sadd.s32 $0x200, s23  }
0x1b: {  	[tilespmem:s22+$0x6870] =	vst v0  }
0x1c: {  	[tilespmem:s22+$0x6800] =	vst v0  }
0x1d: {  	[tilespmem:s22+$0x6810] =	vst v0  }
0x1e: {  	[tilespmem:s22+$0x6820] =	vst v0  }
0x1f: {  	[tilespmem:s22+$0x6830] =	vst v0  }
0x20: {  	[tilespmem:s22+$0x6840] =	vst v0  }
0x21: {  	[tilespmem:s22+$0x6850] =	vst v0  }
0x22: {  	[tilespmem:s22+$0x6860] =	vst v0;
	s29 =	simm.s32 $0x0  }
0x23: {  	[tilespmem:s29], [sflag:$0x2] =	stream.linear.gather [hbm4b:s5+s29], $0x1400, $0x38;
	[tilespmem:$0x1E800] =	vst v63  }
0x24: {  	_ =	swait.ge [sflag:s14], $0x1400  }
0x25: {  	[sflag:s14] =	ssyncset.done $0x0  }
0x26: {  	[sflag:s14] =	ssyncadd.s32 $0xFFFFEC00  }
0x27: {  	[tilespmem:s15], [sflag:$0x2] =	stream.linear.gather [hbm4b:s6+s29], $0x1400, $0x38;
	[tilespmem:$0x1E800] =	vst v63  }
0x28: {  	_ =	swait.ge [sflag:s14], $0x1400  }
0x29: {  	[sflag:s14] =	ssyncset.done $0x0  }
0x2a: {  	[sflag:s14] =	ssyncadd.s32 $0xFFFFEC00  }
0x2b: {  	[spmem:s7] =	stream.linear.scatter [tilespmem:s16], [sflag:$0x2], $0x4000, $0x38;
	[tilespmem:$0x1E800] =	vst v63  }
0x2c: {  	_ =	swait.ge [sflag:s14], $0x4000  }
0x2d: {  	[sflag:s14] =	ssyncset.done $0x0  }
0x2e: {  	[sflag:s14] =	ssyncadd.s32 $0xFFFFC000  }
0x2f: {  	[spmem:s8] =	stream.linear.scatter [tilespmem:s16], [sflag:$0x2], $0x4000, $0x38;
	[tilespmem:$0x1E800] =	vst v63  }
0x30: {  	_ =	swait.ge [sflag:s14], $0x4000  }
0x31: {  	[sflag:s14] =	ssyncset.done $0x0  }
0x32: {  	[sflag:s14] =	ssyncadd.s32 $0xFFFFC000  }
0x33: {  	[spmem:s9] =	stream.linear.scatter [tilespmem:s16], [sflag:$0x2], $0x4000, $0x38;
	[tilespmem:$0x1E800] =	vst v63  }
0x34: {  	_ =	swait.ge [sflag:s14], $0x4000  }
0x35: {  	[sflag:s14] =	ssyncset.done $0x0  }
0x36: {  	[sflag:s14] =	ssyncadd.s32 $0xFFFFC000  }
0x37: {  	[spmem:s10] =	stream.linear.scatter [tilespmem:s16], [sflag:$0x2], $0x4000, $0x38;
	[tilespmem:$0x1E800] =	vst v63  }
0x38: {  	_ =	swait.ge [sflag:s14], $0x4000  }
0x39: {  	[sflag:s14] =	ssyncset.done $0x0  }
0x3a: {  	[sflag:s14] =	ssyncadd.s32 $0xFFFFC000  }
0x3b: {  	[spmem:s11] =	stream.linear.scatter [tilespmem:s16], [sflag:$0x2], $0x4000, $0x38;
	[tilespmem:$0x1E800] =	vst v63  }
0x3c: {  	_ =	swait.ge [sflag:s14], $0x4000  }
0x3d: {  	[sflag:s14] =	ssyncset.done $0x0  }
0x3e: {  	[sflag:s14] =	ssyncadd.s32 $0xFFFFC000  }
0x3f: {  	s30 =	simm.s32 $0x0;
	[bflag:$0x0] =	sbarrier.arrive $0xFFFF  }
0x40: {  	[tilespmem:s18], [sflag:$0x1] =	stream.indirect.gather [hbm4b:s4+s17], $0x80, s30, s17, $0xb8;
	[tilespmem:$0x1E800] =	vst v63  }
0x41: {  	_ =	swait.ge [sflag:s19], $0x4000  }
0x42: {  	[sflag:s19] =	ssyncset.done $0x0  }
0x43: {  	s31 =	simm.s32 $0x1400;
	[sflag:s19] =	ssyncadd.s32 $0xFFFFC000  }
0x44: {  	[spmem:s1] =	stream.indirect.scatter.add.f32 [tilespmem:s18], [sflag:$0x2], $0x80, s31, s17, $0xb8;
	[tilespmem:$0x1E800] =	vst v63  }
0x45: {  	_ =	swait.ge [sflag:s14], $0x4000  }
0x46: {  	s22 =	simm.s32 $0x200;
	s23 =	simm.s32 $0x400;
	[sflag:s14] =	ssyncset.done $0x0  }
.LBB2_4:
0x47: {  	s24 =	sshra.s32 s22, $0x2  }
0x48: {  	[sflag:s14] =	ssyncadd.s32 $0xFFFFC000;
	s22 =	smov.u32 s23;
	s25 =	sadd.s32 $0x200, s23  }
0x49: {  	[tilespmem:s18], [sflag:$0x1] =	stream.indirect.gather [hbm4b:s4+s17], $0x80, s24, s17, $0xb8;
	[tilespmem:$0x1E800] =	vst v63  }
0x4a: {  	p1 =	sne.s32 s23, $0x4E00;
	_ =	swait.ge [sflag:s19], $0x4000  }
.Ltmp1:
0x4b: {  	[sflag:s19] =	ssyncset.done $0x0;
	(pc) =	sbr.rel @p1 .LBB2_4-.Ltmp1, $4  }
0x4c: {  	s23 =	sadd.s32 $0x1400, s24;
	[sflag:s19] =	ssyncadd.s32 $0xFFFFC000  }
0x4d: {  	[spmem:s1] =	stream.indirect.scatter.add.f32 [tilespmem:s18], [sflag:$0x2], $0x80, s23, s17, $0xb8;
	[tilespmem:$0x1E800] =	vst v63  }
0x4e: {  	_ =	swait.ge [sflag:s14], $0x4000  }
0x4f: {  	s23 =	smov.u32 s25;
	[sflag:s14] =	ssyncset.done $0x0  }
0x50: {  	s22 =	sshra.s32 s22, $0x2;
	[sflag:s14] =	ssyncadd.s32 $0xFFFFC000  }
0x51: {  	[tilespmem:s18], [sflag:$0x1] =	stream.indirect.gather [hbm4b:s4+s17], $0x80, s22, s17, $0xb8;
	[tilespmem:$0x1E800] =	vst v63  }
0x52: {  	_ =	swait.ge [sflag:s19], $0x4000  }
0x53: {  	[sflag:s19] =	ssyncset.done $0x0  }
0x54: {  	s22 =	sadd.s32 $0x1400, s22;
	[sflag:s19] =	ssyncadd.s32 $0xFFFFC000  }
0x55: {  	[spmem:s1] =	stream.indirect.scatter.add.f32 [tilespmem:s18], [sflag:$0x2], $0x80, s22, s17, $0xb8;
	[tilespmem:$0x1E800] =	vst v63  }
0x56: {  	_ =	swait.ge [sflag:s14], $0x4000  }
0x57: {  	s3 =	sadd.s32 $0x1, s3;
	[sflag:s14] =	ssyncset.done $0x0  }
0x58: {  	p1 =	sne.s32 s3, s13;
	[sflag:s14] =	ssyncadd.s32 $0xFFFFC000  }
.Ltmp2:
0x59: {  	s22 =	simm.s32 @!p0 $0x2;
	[bflag:$0x0] =	sbarrier.arrive $0xFFFF;
	(pc) =	sbr.rel @p1 .LBB2_1-.Ltmp2, $4  }
0x5a: {  	[hbm:s12], [sflag:s20] =	dma.local @!p0 [spmem:s21], $0x3E80  }
0x5b: {  	_ =	swait.ge @!p0 [sflag:s22], $0x3E80  }
0x5c: {  	[sflag:s22] =	ssyncset.done @!p0 $0x0  }
0x5d: {  	[sflag:s22] =	ssyncadd.s32 @!p0 $0xFFFFC180  }
0x5e: {  	_ =	sfence.sel $0x180000  }
0x5f: {  	[bflag:$0x0] =	sbarrier.arrive $0xFFFF  }
0x60: {  	p0 =	sne.s32 s2, $0x0;
	_ =	strace $0x9000004A  }
0x61: {  	s0 =	sadd.s32 @!p0 $0x100000, s0;
	[bflag:$0x2] =	sbarrier.arrive $0xFFFF  }
0x62: {  	[sflag:s0] =	ssyncadd.tile.s32 @!p0 $0x1;
	_ =	shalt  }
.Lfunc_end2:
_tile_overlayer_lowered:
.L_overlay_start_2:
0x63: {  	(tag) =	ssettag $0x2  }
0x64: {  	s0 =	rddreg [dreg:$0x0];
	s2 =	stileid.u32  }
0x65: {  	s1 =	rddreg [dreg:$0x1];
	p0 =	sne.s32 s2, $0x0  }
0x66: {  	s3 =	rddreg [dreg:$0x2];
	[bflag:$0x3] =	sbarrier.arrive $0xFFFF;
	s2 =	simm.s32 @!p0 $0x1C02  }
0x67: {  	[timem:s3], [sflag:s2] =	dma.local @!p0 [hbm:s0], s1  }
0x68: {  	s0 =	simm.s32 @!p0 $0x2  }
0x69: {  	_ =	swait.ge @!p0 [sflag:s0], s1  }
0x6a: {  	s1 =	ssub.s32 @!p0 $0x0, s1;
	[sflag:s0] =	ssyncset.done @!p0 $0x0  }
0x6b: {  	[sflag:s0] =	ssyncadd.s32 @!p0 s1  }
0x6c: {  	[bflag:$0x3] =	sbarrier.arrive $0xFFFF  }
0x6d: {  	_ =	shalt  }

// kernel: kernel.16.cloned.1.call-start
scs
__scs_entry_jumppad:
0x0: {  	(pc) =	sbr.rel $0x88, $3  }
0x1: {  	(tag) =	ssettag $0x0;
	lr =	simm.s32 $0x1  }
0x2: {  	[smem:$0x3F95] =	sst lr;
	_ =	strace $0xD0000000  }
0x3: {  	_ = 	snop  }
0x4: {  	_ = 	snop  }
0x5: {  	_ = 	snop  }
0x6: {  	_ = 	snop  }
0x7: {  	_ = 	snop  }
__scs_overlays_trampoline_lowered:
0x8: {  	[smem:$0x3FA4] =	sst s0  }
0x9: {  	[smem:$0x3FA5] =	sst s1  }
0xa: {  	[smem:$0x3FA6] =	sst s2  }
0xb: {  	[smem:$0x3FA7] =	sst s3  }
0xc: {  	[smem:$0x3FA8] =	sst s4  }
0xd: {  	[smem:$0x3FA9] =	sst s5  }
0xe: {  	[smem:$0x3FAA] =	sst s6  }
0xf: {  	[smem:$0x3FAB] =	sst s7  }
0x10: {  	[smem:$0x3FAC] =	sst s8  }
0x11: {  	[smem:$0x3FAD] =	sst s9;
	s0 =	simm.s32 @!p0 $0x0  }
0x12: {  	s1 =	sld [smem:$0x3F93];
	s0 =	simm.s32 @p0 $0x1  }
0x13: {  	[smem:$0x3FAE] =	sst s0;
	s0 =	simm.s32 @!p1 $0x0  }
0x14: {  	s2 =	sld [smem:$0x3F92];
	s0 =	simm.s32 @p1 $0x1  }
0x15: {  	[smem:$0x3FAF] =	sst s0;
	s0 =	simm.s32 @!p2 $0x0  }
0x16: {  	s3 =	sld [smem:$0x3FDB];
	s0 =	simm.s32 @p2 $0x1  }
0x17: {  	s4 =	simm.s32 $0x1BF5;
	[smem:$0x3FB1] =	sst s0  }
0x18: {  	s0 =	sld [smem:$0x3F94];
	_ =	swait.ge [sflag:s4], $0x0  }
0x19: {  	s7 =	sld [smem:$0x3F95]  }
0x1a: {  	s8 =	sadd.s32 $0xFFFFE003, lr  }
0x1b: {  	s9 =	sadd.s32 $0xFFFFFEF7, lr;
	s5 =	simm.s32 $0xFFFFFFFF;
	p2 =	slt.u32 s8, $0xFFFFF086  }
0x1c: {  	p1 =	slt.u32 s9, $0xF7A;
	s5 =	simm.s32 @!p2 $0x0  }
0x1d: {  	s5 =	simm.s32 @p1 $0x1;
	p0 =	seq.s32 s7, s2  }
0x1e: {  	s7 =	smul.u32 @!p0 $0xF7A, s2;
	p2 =	seq.s32 @!p0 s5, $0x0  }
0x1f: {  	s9 =	smul.u32 $0xF7A, s1;
	s8 =	simm.s32 @!p0 $0x1BF5;
	p2 =	por !p2, p0  }
0x20: {  	[sflag:s8] =	ssyncset.s32 @!p0 $0xFFFFF086;
	s6 =	sadd.s32 @!p0 s3, s7;
	s7 =	simm.s32 @!p0 $0x108  }
0x21: {  	s3 =	sadd.s32 s3, s9;
	s6 =	sadd.s32 @!p0 $0x88, s6;
	s7 =	simm.s32 @p2 $0x1082  }
0x22: {  	[simem:s7], [sflag:s8] =	dma.local @!p0 [hbm:s6], $0xF7A  }
0x23: {  	s9 =	sor.u32 $0xD0000000, s2;
	s6 =	simm.s32 $0x108;
	_ =	swait.ge @!p0 [sflag:s8], $0x0  }
0x24: {  	s3 =	sadd.s32 $0x88, s3;
	s6 =	simm.s32 @!p1 $0x1082;
	[sflag:s4] =	ssyncset.s32 $0xFFFFF086  }
0x25: {  	[simem:s6], [sflag:s4] =	dma.local [hbm:s3], $0xF7A  }
0x26: {  	[smem:$0x3F95] =	sst s1;
	(tag) =	ssettag s2;
	_ =	strace s9  }
0x27: {  	s1 =	sld [smem:$0x3FA5]  }
0x28: {  	s2 =	sld [smem:$0x3FA6]  }
0x29: {  	s4 =	sld [smem:$0x3FA8]  }
0x2a: {  	p0 =	seq.s32 s5, $0x0;
	s5 =	sld [smem:$0x3FA9]  }
0x2b: {  	s6 =	sld [smem:$0x3FAA]  }
0x2c: {  	s7 =	sld [smem:$0x3FAB]  }
0x2d: {  	s3 =	simm.s32 $0x108;
	s8 =	sld [smem:$0x3FAC]  }
0x2e: {  	s3 =	simm.s32 @!p0 $0x1082;
	s9 =	sld [smem:$0x3FAD]  }
0x2f: {  	lr =	sadd.s32 s0, s3;
	s0 =	sld [smem:$0x3FA4]  }
0x30: {  	s3 =	sld [smem:$0x3FA7]  }
0x31: {  	[smem:$0x3FB0] =	sst s10  }
0x32: {  	s10 =	sld [smem:$0x3FAE];
	_ =	sdelay $0x3  }
0x33: {  	p0 =	seq.s32 s10, $0x1;
	s10 =	sld [smem:$0x3FB0];
	_ =	sdelay $0x3  }
0x34: {  	[smem:$0x3FB0] =	sst s10  }
0x35: {  	s10 =	sld [smem:$0x3FAF];
	_ =	sdelay $0x3  }
0x36: {  	p1 =	seq.s32 s10, $0x1;
	s10 =	sld [smem:$0x3FB0];
	_ =	sdelay $0x3  }
0x37: {  	[smem:$0x3FB0] =	sst s10  }
0x38: {  	s10 =	sld [smem:$0x3FB1]  }
0x39: {  	_ = 	snop;
	(pc) =	sbr.ind lr, $3  }
0x3a: {  	_ = 	snop  }
0x3b: {  	_ = 	snop  }
0x3c: {  	p2 =	seq.s32 s10, $0x1;
	s10 =	sld [smem:$0x3FB0]  }
0x3d: {  	_ =	shalt  }
0x3e: {  	_ =	shalt  }
0x3f: {  	_ =	shalt  }
0x40: {  	_ =	shalt  }
0x41: {  	_ =	shalt  }
0x42: {  	_ =	shalt  }
0x43: {  	_ =	shalt  }
0x44: {  	_ =	shalt  }
0x45: {  	_ =	shalt  }
0x46: {  	_ =	shalt  }
0x47: {  	_ =	shalt  }
0x48: {  	_ =	shalt  }
0x49: {  	_ =	shalt  }
0x4a: {  	_ =	shalt  }
0x4b: {  	_ =	shalt  }
0x4c: {  	_ =	shalt  }
0x4d: {  	_ =	shalt  }
0x4e: {  	_ =	shalt  }
0x4f: {  	_ =	shalt  }
0x50: {  	_ =	shalt  }
0x51: {  	_ =	shalt  }
0x52: {  	_ =	shalt  }
0x53: {  	_ =	shalt  }
0x54: {  	_ =	shalt  }
0x55: {  	_ =	shalt  }
0x56: {  	_ =	shalt  }
0x57: {  	_ =	shalt  }
0x58: {  	_ =	shalt  }
0x59: {  	_ =	shalt  }
0x5a: {  	_ =	shalt  }
0x5b: {  	_ =	shalt  }
0x5c: {  	_ =	shalt  }
0x5d: {  	_ =	shalt  }
0x5e: {  	_ =	shalt  }
0x5f: {  	_ =	shalt  }
0x60: {  	_ =	shalt  }
0x61: {  	_ =	shalt  }
0x62: {  	_ =	shalt  }
0x63: {  	_ =	shalt  }
0x64: {  	_ =	shalt  }
0x65: {  	_ =	shalt  }
0x66: {  	_ =	shalt  }
0x67: {  	_ =	shalt  }
0x68: {  	_ =	shalt  }
0x69: {  	_ =	shalt  }
0x6a: {  	_ =	shalt  }
0x6b: {  	_ =	shalt  }
0x6c: {  	_ =	shalt  }
0x6d: {  	_ =	shalt  }
0x6e: {  	_ =	shalt  }
0x6f: {  	_ =	shalt  }
0x70: {  	_ =	shalt  }
0x71: {  	_ =	shalt  }
0x72: {  	_ =	shalt  }
0x73: {  	_ =	shalt  }
0x74: {  	_ =	shalt  }
0x75: {  	_ =	shalt  }
0x76: {  	_ =	shalt  }
0x77: {  	_ =	shalt  }
0x78: {  	_ =	shalt  }
0x79: {  	_ =	shalt  }
0x7a: {  	_ =	shalt  }
0x7b: {  	_ =	shalt  }
0x7c: {  	_ =	shalt  }
0x7d: {  	_ =	shalt  }
0x7e: {  	_ =	shalt  }
0x7f: {  	_ =	shalt  }
0x80: {  	_ =	shalt  }
0x81: {  	_ =	shalt  }
0x82: {  	_ =	shalt  }
0x83: {  	_ =	shalt  }
0x84: {  	_ =	shalt  }
0x85: {  	_ =	shalt  }
0x86: {  	_ =	shalt  }
0x87: {  	_ =	shalt  }
.Lfunc_end0:
.L_simem_size_0:
called_computation.2_lowered:
.L_overlay_start_0:
0x88: {  	s2 =	sld [smem:$0x3FD9]  }
0x89: {  	s3 =	sld [smem:$0x3FFE];
	_ =	sdelay $0x1  }
0x8a: {  	s1 =	srdreg.scid  }
0x8b: {  	s0 =	sand.u32 $0x1, s1  }
0x8c: {  	s16 =	sshll.u32 s0, $0xA;
	s2 =	sadd.s32 s3, s2  }
0x8d: {  	s2 =	sadd.s32 s2, s16  }
0x8e: {  	[smem:$0x3FBC] =	sst s2  }
0x8f: {  	_ = 	snop  }
0x90: {  	(tm) =	ssettm $0x1  }
0x91: {  	s17 =	sld [smem:$0x3FFB];
	_ =	sdelay $0x3  }
0x92: {  	_ =	strace s17  }
0x93: {  	s2 =	sld [smem:$0x3FFC];
	_ =	sdelay $0x3  }
0x94: {  	_ =	strace s2  }
0x95: {  	s2 =	sld [smem:$0x3FFD];
	_ =	sdelay $0x3  }
0x96: {  	_ =	strace s2  }
0x97: {  	_ =	strace $0x8FFFFFFF  }
0x98: {  	s18 =	sld [smem:$0x3FDB];
	_ =	sdelay $0x1  }
0x99: {  	s19 =	simm.s32 $_scs_section_size  }
0x9a: {  	s4 =	simm.s32 $_size__tile_overlayer_lowered;
	s5 =	simm.s32 $_tile_overlayer_lowered  }
0x9b: {  	s22 =	simm.s32 $0x1BFF;
	s21 =	sshll.u32 s5, $0x1;
	s2 =	sadd.s32 s19, s18  }
0x9c: {  	s6 =	simm.s32 $0x0;
	s20 =	sshll.u32 s4, $0x1;
	s4 =	sadd.s32 s21, s2  }
0x9d: {  	[timem:s6], [sflag:s22] =	dma.local [hbm:s4], s20  }
0x9e: {  	_ =	swait.ge [sflag:s22], s20  }
0x9f: {  	s3 =	ssub.s32 $0x0, s20;
	[sflag:s22] =	ssyncset.done $0x0  }
0xa0: {  	[sflag:s22] =	ssyncadd.s32 s3;
	_ =	sdelay $0x1  }
0xa1: {  	s23 =	simm.s32 $0x1B8B  }
0xa2: {  	_ =	swait.ge [sflag:s23], $0x1  }
0xa3: {  	[sflag:s23] =	ssyncset.done $0x0  }
0xa4: {  	s25 =	simm.s32 $0x1B8E;
	s24 =	sld [smem:$0x3FFE];
	[sflag:s23] =	ssyncadd.s32 $0xFFFFFFFF  }
0xa5: {  	s26 =	simm.s32 $execute0_lowered;
	[smem:$0x3FD2] =	sst s25  }
0xa6: {  	s4 =	sshll.u32 s26, $0x1;
	_ =	strace $0x8000004C;
	[dreg:$0x1] =	wrdreg $0xFFFFFFFF  }
0xa7: {  	s28 =	simm.s32 $_size_execute0_lowered;
	s2 =	sadd.s32 s2, s4;
	[dreg:$0x0] =	wrdreg $0x0  }
0xa8: {  	s4 =	sshll.u32 s28, $0x1;
	[dreg:$0x2] =	wrdreg s2  }
0xa9: {  	[dreg:$0x3] =	wrdreg s4  }
0xaa: {  	[dreg:$0x4] =	wrdreg $0xC0  }
0xab: {  	_ =	task [dreg:s6], $0x5FFFF  }
0xac: {  	[dreg:$0x1] =	wrdreg $0xFFFFFFFF  }
0xad: {  	[dreg:$0x0] =	wrdreg $0x60  }
0xae: {  	[dreg:$0x2] =	wrdreg s24  }
0xaf: {  	[dreg:$0x3] =	wrdreg $0xA8000  }
0xb0: {  	[dreg:$0x4] =	wrdreg $0x9  }
0xb1: {  	_ =	task.clear_ibuf [dreg:s6], $0x5FFFF;
	_ =	strace $0x9000004C  }
0xb2: {  	s29 =	simm.s32 $0x9;
	_ =	strace $0x8000004E  }
0xb3: {  	_ =	swait.ge [sflag:s29], $0x1  }
0xb4: {  	[sflag:s29] =	ssyncadd.s32 $0xFFFFFFFF  }
0xb5: {  	_ =	strace $0x9000004E  }
0xb6: {  	_ =	sfence  }
0xb7: {  	s30 =	sld [smem:$0x0];
	_ =	sdelay $0x2  }
0xb8: {  	s31 =	sshll.u32 s1, $0xD;
	s1 =	sshrl.u32 s1, $0x2  }
0xb9: {  	s3 =	sand.u32 $0x4000, s31;
	s1 =	sadd.s32 s1, s30  }
0xba: {  	s0 =	sor.u32 s3, s0;
	s1 =	sshll.u32 s1, $0x11  }
0xbb: {  	s0 =	sor.u32 s1, s0  }
0xbc: {  	s0 =	sadd.s32 $0x8F2B, s0  }
0xbd: {  	[sflag:s0] =	ssyncadd.remote.s32 $0x1  }
0xbe: {  	_ =	sfence.sel $0xFFFF  }
0xbf: {  	[dreg:$0x0] =	wrdreg $0xFFFFFFFF;
	(pc) =	sbr.abs _section_cstart, $3  }
0xc0: {  	[dreg:$0x1] =	wrdreg $0xFFFFFFFF  }
0xc1: {  	_ =	task.clear_ibuf [dreg:s6], $0x2FFFF;
	_ =	strace $0x9FFFFFFF  }
0xc2: {  	(tm) =	ssettm $0x7FFFFFFF  }
0xc3: {  	_ =	shalt  }
tec
execute0_lowered:
.L_overlay_start_1:
0x0: {  	(tag) =	ssettag $0x1  }
0x1: {  	s5 =	rddreg [dreg:$0x0]  }
0x2: {  	s1 =	rddreg [dreg:$0x1]  }
0x3: {  	s2 =	srdreg.scid;
	s0 =	rddreg [dreg:$0x2]  }
0x4: {  	s3 =	simm.s32 $0x0;
	s15 =	simm.s32 $0x1400;
	s16 =	simm.s32 $0x6800  }
0x5: {  	s17 =	simm.s32 $0x80;
	s18 =	simm.s32 $0x2800;
	s6 =	sand.u32 $0x1, s2  }
0x6: {  	s19 =	simm.s32 $0x1;
	s2 =	stileid.u32;
	s7 =	smul.u32 $0x138800, s6  }
0x7: {  	[smem:$0x7FF] =	sst s3;
	s4 =	sshll.u32 s6, $0x4;
	s8 =	smul.u32 $0x1F400, s2  }
0x8: {  	_ =	strace $0x8000004D;
	s6 =	ssub.s32 $0x2, s6;
	s29 =	smul.u32 $0x50000, s2  }
0x9: {  	s14 =	smul.u32 $0x7D000, s2;
	p0 =	sgt.u32 s2, $0x9;
	s9 =	sor.u32 s2, s4  }
0xa: {  	s4 =	sadd.s32 $0x8A00, s5;
	s30 =	sshrl.u32 s6, $0x1;
	s20 =	sshll.u32 @!p0 s2, $0x6  }
0xb: {  	s9 =	smul.u32 $0x280, s9;
	s7 =	sadd.s32 s8, s7;
	s13 =	ssub.s32 s6, s30  }
0xc: {  	s31 =	sshrl.u32 s29, $0x2;
	s14 =	sshrl.u32 s14, $0x2;
	s20 =	sor.u32 @!p0 $0x1C02, s20  }
0xd: {  	s7 =	sshrl.u32 s7, $0x3;
	s21 =	sadd.s32 s14, s1;
	s13 =	smax.u32 s13, $0x1  }
0xe: {  	s14 =	simm.s32 $0x2;
	s9 =	sadd.s32 s9, s5;
	s12 =	sadd.s32 s7, s5  }
0xf: {  	s7 =	sadd.s32 s31, s1;
	s21 =	sshrl.u32 @!p0 s21, $0x3;
	s5 =	sadd.s32 $0x56C00, s9  }
0x10: {  	s6 =	sadd.s32 $0x3A00, s9;
	s8 =	sadd.s32 $0x4000, s7;
	s9 =	sadd.s32 $0x8000, s7  }
0x11: {  	v0 =	vimm.f32 $0.0e+00;
	s10 =	sadd.s32 $0xC000, s7;
	s11 =	sadd.s32 $0x10000, s7;
	s12 =	sadd.s32 $0x5BC00, s12  }
.LBB2_1:
0x12: {  	s22 =	simm.s32 $0x0;
	s23 =	simm.s32 $0x200  }
.LBB2_2:
0x13: {  	p1 =	sne.s32 s23, $0xFE00;
	[tilespmem:s22+$0x6870] =	vst v0  }
0x14: {  	[tilespmem:s22+$0x6800] =	vst v0  }
0x15: {  	[tilespmem:s22+$0x6810] =	vst v0  }
.Ltmp0:
0x16: {  	[tilespmem:s22+$0x6820] =	vst v0;
	(pc) =	sbr.rel @p1 .LBB2_2-.Ltmp0, $4  }
0x17: {  	[tilespmem:s22+$0x6830] =	vst v0  }
0x18: {  	[tilespmem:s22+$0x6840] =	vst v0  }
0x19: {  	[tilespmem:s22+$0x6850] =	vst v0  }
0x1a: {  	[tilespmem:s22+$0x6860] =	vst v0;
	s22 =	sshra.s32 s23, $0x2;
	s23 =	sadd.s32 $0x200, s23  }
0x1b: {  	[tilespmem:s22+$0x6870] =	vst v0  }
0x1c: {  	[tilespmem:s22+$0x6800] =	vst v0  }
0x1d: {  	[tilespmem:s22+$0x6810] =	vst v0  }
0x1e: {  	[tilespmem:s22+$0x6820] =	vst v0  }
0x1f: {  	[tilespmem:s22+$0x6830] =	vst v0  }
0x20: {  	[tilespmem:s22+$0x6840] =	vst v0  }
0x21: {  	[tilespmem:s22+$0x6850] =	vst v0  }
0x22: {  	[tilespmem:s22+$0x6860] =	vst v0;
	s29 =	simm.s32 $0x0  }
0x23: {  	[tilespmem:s29], [sflag:$0x2] =	stream.linear.gather [hbm4b:s5+s29], $0x1400, $0x38;
	[tilespmem:$0x1E800] =	vst v63  }
0x24: {  	_ =	swait.ge [sflag:s14], $0x1400  }
0x25: {  	[sflag:s14] =	ssyncset.done $0x0  }
0x26: {  	[sflag:s14] =	ssyncadd.s32 $0xFFFFEC00  }
0x27: {  	[tilespmem:s15], [sflag:$0x2] =	stream.linear.gather [hbm4b:s6+s29], $0x1400, $0x38;
	[tilespmem:$0x1E800] =	vst v63  }
0x28: {  	_ =	swait.ge [sflag:s14], $0x1400  }
0x29: {  	[sflag:s14] =	ssyncset.done $0x0  }
0x2a: {  	[sflag:s14] =	ssyncadd.s32 $0xFFFFEC00  }
0x2b: {  	[spmem:s7] =	stream.linear.scatter [tilespmem:s16], [sflag:$0x2], $0x4000, $0x38;
	[tilespmem:$0x1E800] =	vst v63  }
0x2c: {  	_ =	swait.ge [sflag:s14], $0x4000  }
0x2d: {  	[sflag:s14] =	ssyncset.done $0x0  }
0x2e: {  	[sflag:s14] =	ssyncadd.s32 $0xFFFFC000  }
0x2f: {  	[spmem:s8] =	stream.linear.scatter [tilespmem:s16], [sflag:$0x2], $0x4000, $0x38;
	[tilespmem:$0x1E800] =	vst v63  }
0x30: {  	_ =	swait.ge [sflag:s14], $0x4000  }
0x31: {  	[sflag:s14] =	ssyncset.done $0x0  }
0x32: {  	[sflag:s14] =	ssyncadd.s32 $0xFFFFC000  }
0x33: {  	[spmem:s9] =	stream.linear.scatter [tilespmem:s16], [sflag:$0x2], $0x4000, $0x38;
	[tilespmem:$0x1E800] =	vst v63  }
0x34: {  	_ =	swait.ge [sflag:s14], $0x4000  }
0x35: {  	[sflag:s14] =	ssyncset.done $0x0  }
0x36: {  	[sflag:s14] =	ssyncadd.s32 $0xFFFFC000  }
0x37: {  	[spmem:s10] =	stream.linear.scatter [tilespmem:s16], [sflag:$0x2], $0x4000, $0x38;
	[tilespmem:$0x1E800] =	vst v63  }
0x38: {  	_ =	swait.ge [sflag:s14], $0x4000  }
0x39: {  	[sflag:s14] =	ssyncset.done $0x0  }
0x3a: {  	[sflag:s14] =	ssyncadd.s32 $0xFFFFC000  }
0x3b: {  	[spmem:s11] =	stream.linear.scatter [tilespmem:s16], [sflag:$0x2], $0x4000, $0x38;
	[tilespmem:$0x1E800] =	vst v63  }
0x3c: {  	_ =	swait.ge [sflag:s14], $0x4000  }
0x3d: {  	[sflag:s14] =	ssyncset.done $0x0  }
0x3e: {  	[sflag:s14] =	ssyncadd.s32 $0xFFFFC000  }
0x3f: {  	s30 =	simm.s32 $0x0;
	[bflag:$0x0] =	sbarrier.arrive $0xFFFF  }
0x40: {  	[tilespmem:s18], [sflag:$0x1] =	stream.indirect.gather [hbm4b:s4+s17], $0x80, s30, s17, $0xb8;
	[tilespmem:$0x1E800] =	vst v63  }
0x41: {  	_ =	swait.ge [sflag:s19], $0x4000  }
0x42: {  	[sflag:s19] =	ssyncset.done $0x0  }
0x43: {  	s31 =	simm.s32 $0x1400;
	[sflag:s19] =	ssyncadd.s32 $0xFFFFC000  }
0x44: {  	[spmem:s1] =	stream.indirect.scatter.add.f32 [tilespmem:s18], [sflag:$0x2], $0x80, s31, s17, $0xb8;
	[tilespmem:$0x1E800] =	vst v63  }
0x45: {  	_ =	swait.ge [sflag:s14], $0x4000  }
0x46: {  	s22 =	simm.s32 $0x200;
	s23 =	simm.s32 $0x400;
	[sflag:s14] =	ssyncset.done $0x0  }
.LBB2_4:
0x47: {  	s24 =	sshra.s32 s22, $0x2  }
0x48: {  	[sflag:s14] =	ssyncadd.s32 $0xFFFFC000;
	s22 =	smov.u32 s23;
	s25 =	sadd.s32 $0x200, s23  }
0x49: {  	[tilespmem:s18], [sflag:$0x1] =	stream.indirect.gather [hbm4b:s4+s17], $0x80, s24, s17, $0xb8;
	[tilespmem:$0x1E800] =	vst v63  }
0x4a: {  	p1 =	sne.s32 s23, $0x4E00;
	_ =	swait.ge [sflag:s19], $0x4000  }
.Ltmp1:
0x4b: {  	[sflag:s19] =	ssyncset.done $0x0;
	(pc) =	sbr.rel @p1 .LBB2_4-.Ltmp1, $4  }
0x4c: {  	s23 =	sadd.s32 $0x1400, s24;
	[sflag:s19] =	ssyncadd.s32 $0xFFFFC000  }
0x4d: {  	[spmem:s1] =	stream.indirect.scatter.add.f32 [tilespmem:s18], [sflag:$0x2], $0x80, s23, s17, $0xb8;
	[tilespmem:$0x1E800] =	vst v63  }
0x4e: {  	_ =	swait.ge [sflag:s14], $0x4000  }
0x4f: {  	s23 =	smov.u32 s25;
	[sflag:s14] =	ssyncset.done $0x0  }
0x50: {  	s22 =	sshra.s32 s22, $0x2;
	[sflag:s14] =	ssyncadd.s32 $0xFFFFC000  }
0x51: {  	[tilespmem:s18], [sflag:$0x1] =	stream.indirect.gather [hbm4b:s4+s17], $0x80, s22, s17, $0xb8;
	[tilespmem:$0x1E800] =	vst v63  }
0x52: {  	_ =	swait.ge [sflag:s19], $0x4000  }
0x53: {  	[sflag:s19] =	ssyncset.done $0x0  }
0x54: {  	s22 =	sadd.s32 $0x1400, s22;
	[sflag:s19] =	ssyncadd.s32 $0xFFFFC000  }
0x55: {  	[spmem:s1] =	stream.indirect.scatter.add.f32 [tilespmem:s18], [sflag:$0x2], $0x80, s22, s17, $0xb8;
	[tilespmem:$0x1E800] =	vst v63  }
0x56: {  	_ =	swait.ge [sflag:s14], $0x4000  }
0x57: {  	s3 =	sadd.s32 $0x1, s3;
	[sflag:s14] =	ssyncset.done $0x0  }
0x58: {  	p1 =	sne.s32 s3, s13;
	[sflag:s14] =	ssyncadd.s32 $0xFFFFC000  }
.Ltmp2:
0x59: {  	s22 =	simm.s32 @!p0 $0x2;
	[bflag:$0x0] =	sbarrier.arrive $0xFFFF;
	(pc) =	sbr.rel @p1 .LBB2_1-.Ltmp2, $4  }
0x5a: {  	[hbm:s12], [sflag:s20] =	dma.local @!p0 [spmem:s21], $0x3E80  }
0x5b: {  	_ =	swait.ge @!p0 [sflag:s22], $0x3E80  }
0x5c: {  	[sflag:s22] =	ssyncset.done @!p0 $0x0  }
0x5d: {  	[sflag:s22] =	ssyncadd.s32 @!p0 $0xFFFFC180  }
0x5e: {  	_ =	sfence.sel $0x180000  }
0x5f: {  	[bflag:$0x0] =	sbarrier.arrive $0xFFFF  }
0x60: {  	p0 =	sne.s32 s2, $0x0;
	_ =	strace $0x9000004D  }
0x61: {  	s0 =	sadd.s32 @!p0 $0x100000, s0;
	[bflag:$0x2] =	sbarrier.arrive $0xFFFF  }
0x62: {  	[sflag:s0] =	ssyncadd.tile.s32 @!p0 $0x1;
	_ =	shalt  }
.Lfunc_end2:
_tile_overlayer_lowered:
.L_overlay_start_2:
0x63: {  	(tag) =	ssettag $0x2  }
0x64: {  	s0 =	rddreg [dreg:$0x0];
	s2 =	stileid.u32  }
0x65: {  	s1 =	rddreg [dreg:$0x1];
	p0 =	sne.s32 s2, $0x0  }
0x66: {  	s3 =	rddreg [dreg:$0x2];
	[bflag:$0x3] =	sbarrier.arrive $0xFFFF;
	s2 =	simm.s32 @!p0 $0x1C02  }
0x67: {  	[timem:s3], [sflag:s2] =	dma.local @!p0 [hbm:s0], s1  }
0x68: {  	s0 =	simm.s32 @!p0 $0x2  }
0x69: {  	_ =	swait.ge @!p0 [sflag:s0], s1  }
0x6a: {  	s1 =	ssub.s32 @!p0 $0x0, s1;
	[sflag:s0] =	ssyncset.done @!p0 $0x0  }
0x6b: {  	[sflag:s0] =	ssyncadd.s32 @!p0 s1  }
0x6c: {  	[bflag:$0x3] =	sbarrier.arrive $0xFFFF  }
0x6d: {  	_ =	shalt  }

</sc_bundles>
